<compile_context>
chip_gen: v7x
topology: tpu7x:2x2x1
jax: 0.10.2.dev20260603
libtpu: 0.0.44.dev20260713+nightly
codegen_flags: <defaults>
</compile_context>

<pallas_src>
import functools

import jax
import jax.numpy as jnp
from jax import lax
from jax.experimental import pallas as pl
from jax.experimental.pallas import tpu as pltpu
from jax.experimental.pallas import tpu_sc as plsc

_H = _W = 256
_HW = _H * _W
_B = 4
_N = 500_000
_P = _B * _N
_MIN_D = 0.1
_MAX_D = 10.0

_NC, _NS = 2, 16
_NW = _NC * _NS
_Q = 4
_CHUNK = 4000
_QSTEP = 124_000
_GROUPS = _CHUNK // 16
_MAXPAIRS = 16


def _sc_scatter_body(x_hbm, y_hbm, z_hbm, d_hbm, zeros_hbm, out_hbm,
                     x_v0, y_v0, z_v0, d_v0, x_v1, y_v1, z_v1, d_v1,
                     lacc, sem_in):
    in_bufs = ((x_v0, y_v0, z_v0, d_v0), (x_v1, y_v1, z_v1, d_v1))
    cidx = lax.axis_index("c")
    sidx = lax.axis_index("s")
    wid = sidx * _NC + cidx
    img = wid // 8
    kind = (wid // 4) % 2
    quarter = wid % 4
    base0 = img * _N + quarter * _QSTEP
    trips = jnp.where(quarter == 3, 32, 31)

    pltpu.sync_copy(zeros_hbm, lacc)

    lanes = jnp.arange(16, dtype=jnp.int32)

    def _in_copies(j, k):
        sl = pl.ds(base0 + j * _CHUNK, _CHUNK)
        xv, yv, zv, dv = in_bufs[k]
        return (
            pltpu.make_async_copy(x_hbm.at[sl], xv, sem_in.at[k]),
            pltpu.make_async_copy(y_hbm.at[sl], yv, sem_in.at[k]),
            pltpu.make_async_copy(z_hbm.at[sl], zv, sem_in.at[k]),
            pltpu.make_async_copy(d_hbm.at[sl], dv, sem_in.at[k]),
        )

    def _start_in(j, k):
        @pl.when(j < trips)
        def _():
            for cp in _in_copies(j, k):
                cp.start()

    def _compute(j, k):
        xv, yv, zv, dv = in_bufs[k]

        def _group(g, c):
            gsl = pl.ds(g * 16, 16)
            x = xv[gsl]
            y = yv[gsl]
            z = zv[gsl]
            d = dv[gsl]
            t = 1.0 + jnp.exp(-d)
            zs = jnp.maximum(z, _MIN_D)
            q = 1.0 / (t * zs)
            w = zs * q
            r = t * q
            u = (x * r + 0.5) * 256.0
            v = (y * r + 0.5) * 256.0
            valid = ((z > _MIN_D) & (u >= 0.0) & (u < 256.0)
                     & (v >= 0.0) & (v < 256.0))
            ui = u.astype(jnp.int32)
            vi = v.astype(jnp.int32)
            ui = ui - jnp.where(ui.astype(jnp.float32) > u, 1, 0)
            vi = vi - jnp.where(vi.astype(jnp.float32) > v, 1, 0)
            ui = jnp.minimum(jnp.maximum(ui, 0), _W - 1)
            vi = jnp.minimum(jnp.maximum(vi, 0), _H - 1)
            val = jnp.where(kind == 0, zs * w, w)
            val = jnp.where(valid, val, 0.0)
            plsc.addupdate_scatter(lacc, [vi * _W + ui], val)
            return c
        lax.fori_loop(0, _GROUPS, _group, 0)

    _start_in(0, 0)

    def _pair(jj, c):
        for k in (0, 1):
            j = jj * 2 + k
            _start_in(j + 1, 1 - k)
            @pl.when(j < trips)
            def _():
                for cp in _in_copies(j, k):
                    cp.wait()
                _compute(j, k)
        return c
    lax.fori_loop(0, _MAXPAIRS, _pair, 0)

    pltpu.sync_copy(lacc, out_hbm.at[pl.ds(wid * _HW, _HW)])


@jax.jit
def _scatter(x_flat, y_flat, z_flat, dens_flat, zeros_map):
    mesh = plsc.VectorSubcoreMesh(
        core_axis_name="c", subcore_axis_name="s",
        num_cores=_NC, num_subcores=_NS)
    fn = pl.kernel(
        _sc_scatter_body,
        out_type=jax.ShapeDtypeStruct((_NW * _HW,), jnp.float32),
        mesh=mesh,
        compiler_params=pltpu.CompilerParams(needs_layout_passes=False),
        scratch_types=(
            [pltpu.VMEM((_CHUNK,), jnp.float32)] * 8
            + [pltpu.VMEM((_HW,), jnp.float32),
               pltpu.SemaphoreType.DMA((2,))]
        ),
    )
    return fn(x_flat, y_flat, z_flat, dens_flat, zeros_map)


def _dense_body(img_ref, maps_ref, out_ref):
    img = img_ref[0]
    mean = (img[0] + img[1] + img[2]) * (1.0 / 3.0)
    dg = 1.0 / (1.0 + jnp.exp(-mean)) * (_MAX_D - _MIN_D) + _MIN_D

    m = maps_ref[0]
    zw = m[0, 0] + m[0, 1] + m[0, 2] + m[0, 3]
    wsum = m[1, 0] + m[1, 1] + m[1, 2] + m[1, 3]
    has_w = wsum > 0.0
    depth = jnp.where(has_w, zw / jnp.where(has_w, wsum, 1.0), 0.0)

    def _norm(dmap):
        valid = dmap > 0.0
        validf = valid.astype(jnp.float32)
        has_valid = jnp.any(valid)
        vmin = jnp.min(jnp.where(valid, dmap, jnp.inf))
        vmax = jnp.max(jnp.where(valid, dmap, -jnp.inf))
        mn = jnp.maximum(vmin, _MIN_D)
        mx = jnp.minimum(vmax, _MAX_D)
        mn = jnp.where(has_valid, mn, 0.0)
        mx = jnp.where(has_valid, mx, _MAX_D)
        return (dmap - mn) / (mx - mn + 1e-8) * validf

    t = _norm(dg)
    p = _norm(depth)
    vm = (p > 0.0).astype(jnp.float32) * (t > 0.0).astype(jnp.float32)
    vs = jnp.sum(vm)
    l1 = jnp.sum(jnp.abs(p * vm - t * vm))

    ri = lax.broadcasted_iota(jnp.int32, (_H, _W), 0)
    ci = lax.broadcasted_iota(jnp.int32, (_H, _W), 1)
    band = (jnp.abs(ri - ci) <= 5).astype(jnp.float32)

    def _pool(x):
        s = jnp.dot(band, x, preferred_element_type=jnp.float32)
        s = jnp.dot(s, band, preferred_element_type=jnp.float32)
        return s * (1.0 / 121.0)

    mu1 = _pool(p)
    mu2 = _pool(t)
    s11 = _pool(p * p) - mu1 * mu1
    s22 = _pool(t * t) - mu2 * mu2
    s12 = _pool(p * t) - mu1 * mu2
    c1 = 0.01 ** 2
    c2 = 0.03 ** 2
    ssim_map = ((2.0 * mu1 * mu2 + c1) * (2.0 * s12 + c2)
                / ((mu1 * mu1 + mu2 * mu2 + c1) * (s11 + s22 + c2)))
    ssim_sum = jnp.sum(ssim_map * vm)

    i = lax.broadcasted_iota(jnp.int32, (1, 1, 128), 2)
    out_ref[...] = jnp.where(
        i == 0, vs, jnp.where(i == 1, l1, jnp.where(i == 2, ssim_sum, 0.0)))


def _dense(images, maps6):
    return pl.pallas_call(
        _dense_body,
        grid=(_B,),
        in_specs=[
            pl.BlockSpec((1, 3, _H, _W), lambda b: (b, 0, 0, 0)),
            pl.BlockSpec((1, 2, _Q, _H, _W), lambda b: (b, 0, 0, 0, 0)),
        ],
        out_specs=pl.BlockSpec((1, 1, 128), lambda b: (b, 0, 0)),
        out_shape=jax.ShapeDtypeStruct((_B, 1, 128), jnp.float32),
    )(images, maps6)


def kernel(images, points, densities):
    pts = points.reshape(-1, 3)
    zeros_map = jnp.zeros((_HW,), jnp.float32)
    acc = _scatter(pts[:, 0], pts[:, 1], pts[:, 2],
                   densities.reshape(-1), zeros_map)
    maps6 = acc.reshape(_B, 2, _Q, _H, _W)
    partials = _dense(images, maps6)[:, 0, :]
    vs = jnp.sum(partials[:, 0])
    l1 = jnp.sum(partials[:, 1]) / (vs + 1e-8)
    ssim_l = 1.0 - jnp.sum(partials[:, 2]) / (vs + 1e-8)
    total = jnp.minimum(0.8 * l1 + 0.2 * ssim_l, 1.0)
    return jnp.where(vs < 10.0, jnp.float32(0.0), total)

# --- scband reference (transcript-rebuilt; emitter-appended) ---
"""Pipeline reference for scband-depth-consistency-loss-9225589752244 (READ-ONLY COPY).

The authoritative reference and input builder live on the scoring server;
editing this copy changes nothing except your own understanding.
"""

import jax, jax.numpy as jnp
import numpy as np

IMAGE_SIZE = 256
MIN_DEPTH = 0.1
MAX_DEPTH = 10.0


def setup_inputs(seed: int = 0) -> dict:
    key = jax.random.key(seed)
    k1, k2, k3 = jax.random.split(key, 3)
    images = jax.random.normal(k1, (4, 3, 256, 256), dtype=jnp.float32)
    points = jax.random.uniform(k2, (4, 500000, 3), dtype=jnp.float32)
    densities = jax.random.normal(k3, (4, 500000, 1), dtype=jnp.float32)
    return {"images": images, "points": points, "densities": densities}


def _depth_estimator(images):
    # Stand-in for the undefined DepthEstimator network: deterministic pseudo depth
    # in (min_depth, max_depth); it runs under no_grad in the original module.
    d = jax.nn.sigmoid(jnp.mean(images, axis=1, keepdims=True)) * (MAX_DEPTH - MIN_DEPTH) + MIN_DEPTH
    return d


def _normalize_depth(depth):
    valid = depth > 0
    validf = valid.astype(depth.dtype)
    has_valid = jnp.any(valid, axis=(1, 2, 3))
    vmin = jnp.min(jnp.where(valid, depth, jnp.inf), axis=(1, 2, 3))
    vmax = jnp.max(jnp.where(valid, depth, -jnp.inf), axis=(1, 2, 3))
    min_val = jnp.maximum(vmin, MIN_DEPTH)
    max_val = jnp.minimum(vmax, MAX_DEPTH)
    min_map = jnp.where(has_valid, min_val, 0.0)[:, None, None, None]
    max_map = jnp.where(has_valid, max_val, MAX_DEPTH)[:, None, None, None]
    norm = (depth - min_map) / (max_map - min_map + 1e-8)
    return norm * validf


def _avg_pool(x, window=11):
    pad = window // 2
    s = jax.lax.reduce_window(x, 0.0, jax.lax.add, (1, 1, window, window), (1, 1, 1, 1), ((0, 0), (0, 0), (pad, pad), (pad, pad)))
    return s / float(window * window)


def _ssim_loss(pred, target, mask, window=11):
    C1 = 0.01 ** 2
    C2 = 0.03 ** 2
    mu1 = _avg_pool(pred, window)
    mu2 = _avg_pool(target, window)
    mu1_sq = mu1 * mu1
    mu2_sq = mu2 * mu2
    mu1_mu2 = mu1 * mu2
    sigma1_sq = _avg_pool(pred * pred, window) - mu1_sq
    sigma2_sq = _avg_pool(target * target, window) - mu2_sq
    sigma12 = _avg_pool(pred * target, window) - mu1_mu2
    ssim_map = (2 * mu1_mu2 + C1) * (2 * sigma12 + C2) / ((mu1_sq + mu2_sq + C1) * (sigma1_sq + sigma2_sq + C2))
    ssim_map = ssim_map * mask
    return 1.0 - jnp.sum(ssim_map) / (jnp.sum(mask) + 1e-8)


def _project_points_to_depth(points, densities):
    B, N, _ = points.shape
    H = W = IMAGE_SIZE
    weights = jax.nn.sigmoid(densities[..., 0])  # [B, N]
    x = points[..., 0]
    y = points[..., 1]
    z = points[..., 2]
    valid1 = z > MIN_DEPTH
    z_safe = jnp.maximum(z, MIN_DEPTH)
    u_px = (1.0 * x / z_safe + 0.5) * W
    v_px = (1.0 * y / z_safe + 0.5) * H
    valid = valid1 & (u_px >= 0) & (u_px < W) & (v_px >= 0) & (v_px < H)
    ui = jnp.clip(jnp.floor(u_px).astype(jnp.int32), 0, W - 1)
    vi = jnp.clip(jnp.floor(v_px).astype(jnp.int32), 0, H - 1)
    w_vals = jnp.where(valid, weights, 0.0)
    zw_vals = jnp.where(valid, z_safe * weights, 0.0)
    b_off = (jnp.arange(B, dtype=jnp.int32) * (H * W))[:, None]
    flat_idx = (b_off + vi * W + ui).ravel()
    depth_flat = jnp.zeros(B * H * W, dtype=points.dtype).at[flat_idx].add(zw_vals.ravel())
    weight_flat = jnp.zeros(B * H * W, dtype=points.dtype).at[flat_idx].add(w_vals.ravel())
    has_w = weight_flat > 0
    safe_w = jnp.where(has_w, weight_flat, 1.0)
    depth_flat = jnp.where(has_w, depth_flat / safe_w, 0.0)
    return depth_flat.reshape(B, 1, H, W)


def reference(images, points, densities):
    depth_gt = jax.lax.stop_gradient(_depth_estimator(images))  # no_grad in torch
    depth_gt = _normalize_depth(depth_gt)
    projected_depth = _project_points_to_depth(points, densities)
    projected_depth = _normalize_depth(projected_depth)
    pred_mask = (projected_depth > 0).astype(jnp.float32)
    gt_mask = (depth_gt > 0).astype(jnp.float32)
    valid_mask = pred_mask * gt_mask
    vs = jnp.sum(valid_mask)
    l1 = jnp.sum(jnp.abs(projected_depth * valid_mask - depth_gt * valid_mask)) / (vs + 1e-8)
    ssim_l = _ssim_loss(projected_depth, depth_gt, valid_mask)
    total = 0.8 * l1 + 0.2 * ssim_l
    total = jnp.minimum(total, 1.0)
    return jnp.where(vs < 10, jnp.float32(0.0), total)

if __name__ == "__main__":
    import jax
    _d = setup_inputs()
    print(jax.jit(kernel)(*tuple(_d.values())))

</pallas_src>

<mosaic_0001>
#map = affine_map<(d0, d1) -> (0)>
module attributes {stable_mosaic.version = 14 : i64} {
  func.func @_sc_scatter_body(%arg0: i32, %arg1: i32, %arg2: memref<2000000xf32, #tpu.memory_space<hbm>>, %arg3: memref<2000000xf32, #tpu.memory_space<hbm>>, %arg4: memref<2000000xf32, #tpu.memory_space<hbm>>, %arg5: memref<2000000xf32, #tpu.memory_space<hbm>>, %arg6: memref<65536xf32, #tpu.memory_space<hbm>>, %arg7: memref<2097152xf32, #tpu.memory_space<hbm>>, %arg8: memref<4000xf32, #tpu.memory_space<vmem>>, %arg9: memref<4000xf32, #tpu.memory_space<vmem>>, %arg10: memref<4000xf32, #tpu.memory_space<vmem>>, %arg11: memref<4000xf32, #tpu.memory_space<vmem>>, %arg12: memref<4000xf32, #tpu.memory_space<vmem>>, %arg13: memref<4000xf32, #tpu.memory_space<vmem>>, %arg14: memref<4000xf32, #tpu.memory_space<vmem>>, %arg15: memref<4000xf32, #tpu.memory_space<vmem>>, %arg16: memref<65536xf32, #tpu.memory_space<vmem>>, %arg17: memref<2x!tpu.dma_semaphore, #tpu.memory_space<semaphore_mem>>) attributes {dimension_semantics = [#tpu.dimension_semantics<core_parallel>, #tpu.dimension_semantics<subcore_parallel>], iteration_bounds = array<i64: 2, 16>, scalar_prefetch = 0 : i64, scratch_operands = 10 : i64, tpu.core_type = #tpu.core_type<sc_vector_subcore>, window_params = [{transform_indices = #map}, {transform_indices = #map}, {transform_indices = #map}, {transform_indices = #map}, {transform_indices = #map}, {transform_indices = #map}]} {
    %mul3A = arith.constant 2 : i32
    %mul3A_0 = arith.muli %arg1, %mul3A : i32
    %add3A = arith.addi %mul3A_0, %arg0 : i32
    %jit3A = arith.constant 8 : i32
    %div3A = arith.divsi %add3A, %jit3A : i32
    %sign3A = arith.constant 0 : i32
    %sign3A_1 = arith.cmpi sgt, %add3A, %sign3A : i32
    %sign3A_2 = arith.extui %sign3A_1 : i1 to i32
    %sign3A_3 = arith.constant 0 : i32
    %sign3A_4 = arith.cmpi slt, %add3A, %sign3A_3 : i32
    %sign3A_5 = arith.extui %sign3A_4 : i1 to i32
    %sign3A_6 = arith.subi %sign3A_2, %sign3A_5 : i32
    %sign3A_7 = arith.constant 0 : i32
    %sign3A_8 = arith.cmpi sgt, %jit3A, %sign3A_7 : i32
    %sign3A_9 = arith.extui %sign3A_8 : i1 to i32
    %sign3A_10 = arith.constant 0 : i32
    %sign3A_11 = arith.cmpi slt, %jit3A, %sign3A_10 : i32
    %sign3A_12 = arith.extui %sign3A_11 : i1 to i32
    %sign3A_13 = arith.subi %sign3A_9, %sign3A_12 : i32
    %ne3A = arith.cmpi ne, %sign3A_6, %sign3A_13 : i32
    %rem3A = arith.remsi %add3A, %jit3A : i32
    %ne3A_14 = arith.constant 0 : i32
    %ne3A_15 = arith.cmpi ne, %rem3A, %ne3A_14 : i32
    %and3A = arith.andi %ne3A, %ne3A_15 : i1
    %sub3A = arith.constant 1 : i32
    %sub3A_16 = arith.subi %div3A, %sub3A : i32
    %select_n3A = arith.select %and3A, %sub3A_16, %div3A : i32
    %jit3A_17 = arith.constant 4 : i32
    %div3A_18 = arith.divsi %add3A, %jit3A_17 : i32
    %sign3A_19 = arith.constant 0 : i32
    %sign3A_20 = arith.cmpi sgt, %add3A, %sign3A_19 : i32
    %sign3A_21 = arith.extui %sign3A_20 : i1 to i32
    %sign3A_22 = arith.constant 0 : i32
    %sign3A_23 = arith.cmpi slt, %add3A, %sign3A_22 : i32
    %sign3A_24 = arith.extui %sign3A_23 : i1 to i32
    %sign3A_25 = arith.subi %sign3A_21, %sign3A_24 : i32
    %sign3A_26 = arith.constant 0 : i32
    %sign3A_27 = arith.cmpi sgt, %jit3A_17, %sign3A_26 : i32
    %sign3A_28 = arith.extui %sign3A_27 : i1 to i32
    %sign3A_29 = arith.constant 0 : i32
    %sign3A_30 = arith.cmpi slt, %jit3A_17, %sign3A_29 : i32
    %sign3A_31 = arith.extui %sign3A_30 : i1 to i32
    %sign3A_32 = arith.subi %sign3A_28, %sign3A_31 : i32
    %ne3A_33 = arith.cmpi ne, %sign3A_25, %sign3A_32 : i32
    %rem3A_34 = arith.remsi %add3A, %jit3A_17 : i32
    %ne3A_35 = arith.constant 0 : i32
    %ne3A_36 = arith.cmpi ne, %rem3A_34, %ne3A_35 : i32
    %and3A_37 = arith.andi %ne3A_33, %ne3A_36 : i1
    %sub3A_38 = arith.constant 1 : i32
    %sub3A_39 = arith.subi %div3A_18, %sub3A_38 : i32
    %select_n3A_40 = arith.select %and3A_37, %sub3A_39, %div3A_18 : i32
    %jit3A_41 = arith.constant 2 : i32
    %eq3A = arith.constant 0 : i32
    %eq3A_42 = arith.cmpi eq, %jit3A_41, %eq3A : i32
    %jit3A_43 = arith.constant 1 : i32
    %select_n3A_44 = arith.select %eq3A_42, %jit3A_43, %jit3A_41 : i32
    %rem3A_45 = arith.remsi %select_n3A_40, %select_n3A_44 : i32
    %ne3A_46 = arith.constant 0 : i32
    %ne3A_47 = arith.cmpi ne, %rem3A_45, %ne3A_46 : i32
    %lt3A = arith.constant 0 : i32
    %lt3A_48 = arith.cmpi slt, %rem3A_45, %lt3A : i32
    %lt3A_49 = arith.constant 0 : i32
    %lt3A_50 = arith.cmpi slt, %select_n3A_44, %lt3A_49 : i32
    %ne3A_51 = arith.xori %lt3A_48, %lt3A_50 : i1
    %and3A_52 = arith.andi %ne3A_51, %ne3A_47 : i1
    %add3A_53 = arith.addi %rem3A_45, %select_n3A_44 : i32
    %select_n3A_54 = arith.select %and3A_52, %add3A_53, %rem3A_45 : i32
    %jit3A_55 = arith.constant 4 : i32
    %eq3A_56 = arith.constant 0 : i32
    %eq3A_57 = arith.cmpi eq, %jit3A_55, %eq3A_56 : i32
    %jit3A_58 = arith.constant 1 : i32
    %select_n3A_59 = arith.select %eq3A_57, %jit3A_58, %jit3A_55 : i32
    %rem3A_60 = arith.remsi %add3A, %select_n3A_59 : i32
    %ne3A_61 = arith.constant 0 : i32
    %ne3A_62 = arith.cmpi ne, %rem3A_60, %ne3A_61 : i32
    %lt3A_63 = arith.constant 0 : i32
    %lt3A_64 = arith.cmpi slt, %rem3A_60, %lt3A_63 : i32
    %lt3A_65 = arith.constant 0 : i32
    %lt3A_66 = arith.cmpi slt, %select_n3A_59, %lt3A_65 : i32
    %ne3A_67 = arith.xori %lt3A_64, %lt3A_66 : i1
    %and3A_68 = arith.andi %ne3A_67, %ne3A_62 : i1
    %add3A_69 = arith.addi %rem3A_60, %select_n3A_59 : i32
    %select_n3A_70 = arith.select %and3A_68, %add3A_69, %rem3A_60 : i32
    %mul3A_71 = arith.constant 500000 : i32
    %mul3A_72 = arith.muli %select_n3A, %mul3A_71 : i32
    %mul3A_73 = arith.constant 124000 : i32
    %mul3A_74 = arith.muli %select_n3A_70, %mul3A_73 : i32
    %add3A_75 = arith.addi %mul3A_72, %mul3A_74 : i32
    %eq3A_76 = arith.constant 3 : i32
    %eq3A_77 = arith.cmpi eq, %select_n3A_70, %eq3A_76 : i32
    %jit3A_78 = arith.constant 32 : i32
    %jit3A_79 = arith.constant 31 : i32
    %select_n3A_80 = arith.select %eq3A_77, %jit3A_78, %jit3A_79 : i32
    "tpu.region"() ({
      %run_scoped3A = tpu.sem_alloc : memref<!tpu.dma_semaphore, #tpu.memory_space<semaphore_mem>>
      tpu.enqueue_dma source(%arg6 : memref<65536xf32, #tpu.memory_space<hbm>>) target(%arg16 : memref<65536xf32, #tpu.memory_space<vmem>>) target_semaphore(%run_scoped3A : memref<!tpu.dma_semaphore, #tpu.memory_space<semaphore_mem>>)
      tpu.wait_dma2 semaphore(%run_scoped3A : memref<!tpu.dma_semaphore, #tpu.memory_space<semaphore_mem>>) src(%arg6 : memref<65536xf32, #tpu.memory_space<hbm>>) dst(%arg16 : memref<65536xf32, #tpu.memory_space<vmem>>)
      tpu.yield
    }) : () -> ()
    %iota3A = tpu.iota {dimensions = array<i32: 0>} : vector<16xi32>
    %gt3A = arith.constant 0 : i32
    %gt3A_81 = arith.cmpi sgt, %select_n3A_80, %gt3A : i32
    %convert_element_type3A = arith.extui %gt3A_81 : i1 to i32
    %cond3A = arith.constant 0 : i32
    %cond3A_82 = arith.cmpi ne, %convert_element_type3A, %cond3A : i32
    scf.if %cond3A_82 {
      %add3A_90 = arith.constant 0 : i32
      %add3A_91 = arith.addi %add3A_75, %add3A_90 : i32
      %dma_start3A = arith.constant 0 : i32
      %dma_start3A_92 = tpu.memref_slice %arg2[%add3A_91] : memref<2000000xf32, #tpu.memory_space<hbm>> -> memref<4000xf32, #tpu.memory_space<hbm>>
      %dma_start3A_93 = tpu.memref_slice %arg17[%dma_start3A] : memref<2x!tpu.dma_semaphore, #tpu.memory_space<semaphore_mem>> -> memref<1x!tpu.dma_semaphore, #tpu.memory_space<semaphore_mem>>
      %dma_start3A_94 = tpu.memref_squeeze %dma_start3A_93 : memref<1x!tpu.dma_semaphore, #tpu.memory_space<semaphore_mem>> -> memref<!tpu.dma_semaphore, #tpu.memory_space<semaphore_mem>>
      %dma_start3A_95 = tpu.memref_slice %arg2[%add3A_91] : memref<2000000xf32, #tpu.memory_space<hbm>> -> memref<4000xf32, #tpu.memory_space<hbm>>
      tpu.enqueue_dma source(%dma_start3A_95 : memref<4000xf32, #tpu.memory_space<hbm>>) target(%arg8 : memref<4000xf32, #tpu.memory_space<vmem>>) target_semaphore(%dma_start3A_94 : memref<!tpu.dma_semaphore, #tpu.memory_space<semaphore_mem>>)
      %dma_start3A_96 = arith.constant 0 : i32
      %dma_start3A_97 = tpu.memref_slice %arg3[%add3A_91] : memref<2000000xf32, #tpu.memory_space<hbm>> -> memref<4000xf32, #tpu.memory_space<hbm>>
      %dma_start3A_98 = tpu.memref_slice %arg17[%dma_start3A_96] : memref<2x!tpu.dma_semaphore, #tpu.memory_space<semaphore_mem>> -> memref<1x!tpu.dma_semaphore, #tpu.memory_space<semaphore_mem>>
      %dma_start3A_99 = tpu.memref_squeeze %dma_start3A_98 : memref<1x!tpu.dma_semaphore, #tpu.memory_space<semaphore_mem>> -> memref<!tpu.dma_semaphore, #tpu.memory_space<semaphore_mem>>
      %dma_start3A_100 = tpu.memref_slice %arg3[%add3A_91] : memref<2000000xf32, #tpu.memory_space<hbm>> -> memref<4000xf32, #tpu.memory_space<hbm>>
      tpu.enqueue_dma source(%dma_start3A_100 : memref<4000xf32, #tpu.memory_space<hbm>>) target(%arg9 : memref<4000xf32, #tpu.memory_space<vmem>>) target_semaphore(%dma_start3A_99 : memref<!tpu.dma_semaphore, #tpu.memory_space<semaphore_mem>>)
      %dma_start3A_101 = arith.constant 0 : i32
      %dma_start3A_102 = tpu.memref_slice %arg4[%add3A_91] : memref<2000000xf32, #tpu.memory_space<hbm>> -> memref<4000xf32, #tpu.memory_space<hbm>>
      %dma_start3A_103 = tpu.memref_slice %arg17[%dma_start3A_101] : memref<2x!tpu.dma_semaphore, #tpu.memory_space<semaphore_mem>> -> memref<1x!tpu.dma_semaphore, #tpu.memory_space<semaphore_mem>>
      %dma_start3A_104 = tpu.memref_squeeze %dma_start3A_103 : memref<1x!tpu.dma_semaphore, #tpu.memory_space<semaphore_mem>> -> memref<!tpu.dma_semaphore, #tpu.memory_space<semaphore_mem>>
      %dma_start3A_105 = tpu.memref_slice %arg4[%add3A_91] : memref<2000000xf32, #tpu.memory_space<hbm>> -> memref<4000xf32, #tpu.memory_space<hbm>>
      tpu.enqueue_dma source(%dma_start3A_105 : memref<4000xf32, #tpu.memory_space<hbm>>) target(%arg10 : memref<4000xf32, #tpu.memory_space<vmem>>) target_semaphore(%dma_start3A_104 : memref<!tpu.dma_semaphore, #tpu.memory_space<semaphore_mem>>)
      %dma_start3A_106 = arith.constant 0 : i32
      %dma_start3A_107 = tpu.memref_slice %arg5[%add3A_91] : memref<2000000xf32, #tpu.memory_space<hbm>> -> memref<4000xf32, #tpu.memory_space<hbm>>
      %dma_start3A_108 = tpu.memref_slice %arg17[%dma_start3A_106] : memref<2x!tpu.dma_semaphore, #tpu.memory_space<semaphore_mem>> -> memref<1x!tpu.dma_semaphore, #tpu.memory_space<semaphore_mem>>
      %dma_start3A_109 = tpu.memref_squeeze %dma_start3A_108 : memref<1x!tpu.dma_semaphore, #tpu.memory_space<semaphore_mem>> -> memref<!tpu.dma_semaphore, #tpu.memory_space<semaphore_mem>>
      %dma_start3A_110 = tpu.memref_slice %arg5[%add3A_91] : memref<2000000xf32, #tpu.memory_space<hbm>> -> memref<4000xf32, #tpu.memory_space<hbm>>
      tpu.enqueue_dma source(%dma_start3A_110 : memref<4000xf32, #tpu.memory_space<hbm>>) target(%arg11 : memref<4000xf32, #tpu.memory_space<vmem>>) target_semaphore(%dma_start3A_109 : memref<!tpu.dma_semaphore, #tpu.memory_space<semaphore_mem>>)
    } else {
    }
    %scan3A = arith.constant 0 : i32
    %scan3A_83 = arith.constant 0 : i32
    %scan3A_84 = arith.constant 16 : i32
    %scan3A_85 = arith.addi %scan3A_83, %scan3A_84 : i32
    %scan3A_86 = arith.constant 1 : i32
    scf.for %scan3A_90 = %scan3A_83 to %scan3A_85 step %scan3A_86  : i32 {
      %mul3A_91 = arith.constant 2 : i32
      %mul3A_92 = arith.muli %scan3A_90, %mul3A_91 : i32
      %add3A_93 = arith.constant 0 : i32
      %add3A_94 = arith.addi %mul3A_92, %add3A_93 : i32
      %add3A_95 = arith.constant 1 : i32
      %add3A_96 = arith.addi %add3A_94, %add3A_95 : i32
      %lt3A_97 = arith.cmpi slt, %add3A_96, %select_n3A_80 : i32
      %convert_element_type3A_98 = arith.extui %lt3A_97 : i1 to i32
      %cond3A_99 = arith.constant 0 : i32
      %cond3A_100 = arith.cmpi ne, %convert_element_type3A_98, %cond3A_99 : i32
      scf.if %cond3A_100 {
        %mul3A_119 = arith.constant 4000 : i32
        %mul3A_120 = arith.muli %add3A_96, %mul3A_119 : i32
        %add3A_121 = arith.addi %add3A_75, %mul3A_120 : i32
        %dma_start3A = arith.constant 1 : i32
        %dma_start3A_122 = tpu.memref_slice %arg2[%add3A_121] : memref<2000000xf32, #tpu.memory_space<hbm>> -> memref<4000xf32, #tpu.memory_space<hbm>>
        %dma_start3A_123 = tpu.memref_slice %arg17[%dma_start3A] : memref<2x!tpu.dma_semaphore, #tpu.memory_space<semaphore_mem>> -> memref<1x!tpu.dma_semaphore, #tpu.memory_space<semaphore_mem>>
        %dma_start3A_124 = tpu.memref_squeeze %dma_start3A_123 : memref<1x!tpu.dma_semaphore, #tpu.memory_space<semaphore_mem>> -> memref<!tpu.dma_semaphore, #tpu.memory_space<semaphore_mem>>
        %dma_start3A_125 = tpu.memref_slice %arg2[%add3A_121] : memref<2000000xf32, #tpu.memory_space<hbm>> -> memref<4000xf32, #tpu.memory_space<hbm>>
        tpu.enqueue_dma source(%dma_start3A_125 : memref<4000xf32, #tpu.memory_space<hbm>>) target(%arg12 : memref<4000xf32, #tpu.memory_space<vmem>>) target_semaphore(%dma_start3A_124 : memref<!tpu.dma_semaphore, #tpu.memory_space<semaphore_mem>>)
        %dma_start3A_126 = arith.constant 1 : i32
        %dma_start3A_127 = tpu.memref_slice %arg3[%add3A_121] : memref<2000000xf32, #tpu.memory_space<hbm>> -> memref<4000xf32, #tpu.memory_space<hbm>>
        %dma_start3A_128 = tpu.memref_slice %arg17[%dma_start3A_126] : memref<2x!tpu.dma_semaphore, #tpu.memory_space<semaphore_mem>> -> memref<1x!tpu.dma_semaphore, #tpu.memory_space<semaphore_mem>>
        %dma_start3A_129 = tpu.memref_squeeze %dma_start3A_128 : memref<1x!tpu.dma_semaphore, #tpu.memory_space<semaphore_mem>> -> memref<!tpu.dma_semaphore, #tpu.memory_space<semaphore_mem>>
        %dma_start3A_130 = tpu.memref_slice %arg3[%add3A_121] : memref<2000000xf32, #tpu.memory_space<hbm>> -> memref<4000xf32, #tpu.memory_space<hbm>>
        tpu.enqueue_dma source(%dma_start3A_130 : memref<4000xf32, #tpu.memory_space<hbm>>) target(%arg13 : memref<4000xf32, #tpu.memory_space<vmem>>) target_semaphore(%dma_start3A_129 : memref<!tpu.dma_semaphore, #tpu.memory_space<semaphore_mem>>)
        %dma_start3A_131 = arith.constant 1 : i32
        %dma_start3A_132 = tpu.memref_slice %arg4[%add3A_121] : memref<2000000xf32, #tpu.memory_space<hbm>> -> memref<4000xf32, #tpu.memory_space<hbm>>
        %dma_start3A_133 = tpu.memref_slice %arg17[%dma_start3A_131] : memref<2x!tpu.dma_semaphore, #tpu.memory_space<semaphore_mem>> -> memref<1x!tpu.dma_semaphore, #tpu.memory_space<semaphore_mem>>
        %dma_start3A_134 = tpu.memref_squeeze %dma_start3A_133 : memref<1x!tpu.dma_semaphore, #tpu.memory_space<semaphore_mem>> -> memref<!tpu.dma_semaphore, #tpu.memory_space<semaphore_mem>>
        %dma_start3A_135 = tpu.memref_slice %arg4[%add3A_121] : memref<2000000xf32, #tpu.memory_space<hbm>> -> memref<4000xf32, #tpu.memory_space<hbm>>
        tpu.enqueue_dma source(%dma_start3A_135 : memref<4000xf32, #tpu.memory_space<hbm>>) target(%arg14 : memref<4000xf32, #tpu.memory_space<vmem>>) target_semaphore(%dma_start3A_134 : memref<!tpu.dma_semaphore, #tpu.memory_space<semaphore_mem>>)
        %dma_start3A_136 = arith.constant 1 : i32
        %dma_start3A_137 = tpu.memref_slice %arg5[%add3A_121] : memref<2000000xf32, #tpu.memory_space<hbm>> -> memref<4000xf32, #tpu.memory_space<hbm>>
        %dma_start3A_138 = tpu.memref_slice %arg17[%dma_start3A_136] : memref<2x!tpu.dma_semaphore, #tpu.memory_space<semaphore_mem>> -> memref<1x!tpu.dma_semaphore, #tpu.memory_space<semaphore_mem>>
        %dma_start3A_139 = tpu.memref_squeeze %dma_start3A_138 : memref<1x!tpu.dma_semaphore, #tpu.memory_space<semaphore_mem>> -> memref<!tpu.dma_semaphore, #tpu.memory_space<semaphore_mem>>
        %dma_start3A_140 = tpu.memref_slice %arg5[%add3A_121] : memref<2000000xf32, #tpu.memory_space<hbm>> -> memref<4000xf32, #tpu.memory_space<hbm>>
        tpu.enqueue_dma source(%dma_start3A_140 : memref<4000xf32, #tpu.memory_space<hbm>>) target(%arg15 : memref<4000xf32, #tpu.memory_space<vmem>>) target_semaphore(%dma_start3A_139 : memref<!tpu.dma_semaphore, #tpu.memory_space<semaphore_mem>>)
      } else {
      }
      %lt3A_101 = arith.cmpi slt, %add3A_94, %select_n3A_80 : i32
      %convert_element_type3A_102 = arith.extui %lt3A_101 : i1 to i32
      %cond3A_103 = arith.constant 0 : i32
      %cond3A_104 = arith.cmpi ne, %convert_element_type3A_102, %cond3A_103 : i32
      scf.if %cond3A_104 {
        %mul3A_119 = arith.constant 4000 : i32
        %mul3A_120 = arith.muli %add3A_94, %mul3A_119 : i32
        %add3A_121 = arith.addi %add3A_75, %mul3A_120 : i32
        %dma_wait3A = arith.constant 0 : i32
        %dma_wait3A_122 = tpu.memref_slice %arg2[%add3A_121] : memref<2000000xf32, #tpu.memory_space<hbm>> -> memref<4000xf32, #tpu.memory_space<hbm>>
        %dma_wait3A_123 = tpu.memref_slice %arg17[%dma_wait3A] : memref<2x!tpu.dma_semaphore, #tpu.memory_space<semaphore_mem>> -> memref<1x!tpu.dma_semaphore, #tpu.memory_space<semaphore_mem>>
        %dma_wait3A_124 = tpu.memref_squeeze %dma_wait3A_123 : memref<1x!tpu.dma_semaphore, #tpu.memory_space<semaphore_mem>> -> memref<!tpu.dma_semaphore, #tpu.memory_space<semaphore_mem>>
        %dma_wait3A_125 = tpu.memref_slice %arg2[%add3A_121] : memref<2000000xf32, #tpu.memory_space<hbm>> -> memref<4000xf32, #tpu.memory_space<hbm>>
        tpu.wait_dma2 semaphore(%dma_wait3A_124 : memref<!tpu.dma_semaphore, #tpu.memory_space<semaphore_mem>>) src(%dma_wait3A_125 : memref<4000xf32, #tpu.memory_space<hbm>>) dst(%arg8 : memref<4000xf32, #tpu.memory_space<vmem>>)
        %dma_wait3A_126 = arith.constant 0 : i32
        %dma_wait3A_127 = tpu.memref_slice %arg3[%add3A_121] : memref<2000000xf32, #tpu.memory_space<hbm>> -> memref<4000xf32, #tpu.memory_space<hbm>>
        %dma_wait3A_128 = tpu.memref_slice %arg17[%dma_wait3A_126] : memref<2x!tpu.dma_semaphore, #tpu.memory_space<semaphore_mem>> -> memref<1x!tpu.dma_semaphore, #tpu.memory_space<semaphore_mem>>
        %dma_wait3A_129 = tpu.memref_squeeze %dma_wait3A_128 : memref<1x!tpu.dma_semaphore, #tpu.memory_space<semaphore_mem>> -> memref<!tpu.dma_semaphore, #tpu.memory_space<semaphore_mem>>
        %dma_wait3A_130 = tpu.memref_slice %arg3[%add3A_121] : memref<2000000xf32, #tpu.memory_space<hbm>> -> memref<4000xf32, #tpu.memory_space<hbm>>
        tpu.wait_dma2 semaphore(%dma_wait3A_129 : memref<!tpu.dma_semaphore, #tpu.memory_space<semaphore_mem>>) src(%dma_wait3A_130 : memref<4000xf32, #tpu.memory_space<hbm>>) dst(%arg9 : memref<4000xf32, #tpu.memory_space<vmem>>)
        %dma_wait3A_131 = arith.constant 0 : i32
        %dma_wait3A_132 = tpu.memref_slice %arg4[%add3A_121] : memref<2000000xf32, #tpu.memory_space<hbm>> -> memref<4000xf32, #tpu.memory_space<hbm>>
        %dma_wait3A_133 = tpu.memref_slice %arg17[%dma_wait3A_131] : memref<2x!tpu.dma_semaphore, #tpu.memory_space<semaphore_mem>> -> memref<1x!tpu.dma_semaphore, #tpu.memory_space<semaphore_mem>>
        %dma_wait3A_134 = tpu.memref_squeeze %dma_wait3A_133 : memref<1x!tpu.dma_semaphore, #tpu.memory_space<semaphore_mem>> -> memref<!tpu.dma_semaphore, #tpu.memory_space<semaphore_mem>>
        %dma_wait3A_135 = tpu.memref_slice %arg4[%add3A_121] : memref<2000000xf32, #tpu.memory_space<hbm>> -> memref<4000xf32, #tpu.memory_space<hbm>>
        tpu.wait_dma2 semaphore(%dma_wait3A_134 : memref<!tpu.dma_semaphore, #tpu.memory_space<semaphore_mem>>) src(%dma_wait3A_135 : memref<4000xf32, #tpu.memory_space<hbm>>) dst(%arg10 : memref<4000xf32, #tpu.memory_space<vmem>>)
        %dma_wait3A_136 = arith.constant 0 : i32
        %dma_wait3A_137 = tpu.memref_slice %arg5[%add3A_121] : memref<2000000xf32, #tpu.memory_space<hbm>> -> memref<4000xf32, #tpu.memory_space<hbm>>
        %dma_wait3A_138 = tpu.memref_slice %arg17[%dma_wait3A_136] : memref<2x!tpu.dma_semaphore, #tpu.memory_space<semaphore_mem>> -> memref<1x!tpu.dma_semaphore, #tpu.memory_space<semaphore_mem>>
        %dma_wait3A_139 = tpu.memref_squeeze %dma_wait3A_138 : memref<1x!tpu.dma_semaphore, #tpu.memory_space<semaphore_mem>> -> memref<!tpu.dma_semaphore, #tpu.memory_space<semaphore_mem>>
        %dma_wait3A_140 = tpu.memref_slice %arg5[%add3A_121] : memref<2000000xf32, #tpu.memory_space<hbm>> -> memref<4000xf32, #tpu.memory_space<hbm>>
        tpu.wait_dma2 semaphore(%dma_wait3A_139 : memref<!tpu.dma_semaphore, #tpu.memory_space<semaphore_mem>>) src(%dma_wait3A_140 : memref<4000xf32, #tpu.memory_space<hbm>>) dst(%arg11 : memref<4000xf32, #tpu.memory_space<vmem>>)
        %scan3A_141 = arith.constant 0 : i32
        %scan3A_142 = arith.constant 0 : i32
        %scan3A_143 = arith.constant 250 : i32
        %scan3A_144 = arith.addi %scan3A_142, %scan3A_143 : i32
        %scan3A_145 = arith.constant 1 : i32
        scf.for %scan3A_147 = %scan3A_142 to %scan3A_144 step %scan3A_145  : i32 {
          %mul3A_148 = arith.constant 16 : i32
          %mul3A_149 = arith.muli %scan3A_147, %mul3A_148 : i32
          %get3A = arith.index_cast %mul3A_149 : i32 to index
          %get3A_150 = tpu.vector_load %arg8[%get3A] {strides = array<i32>} : memref<4000xf32, #tpu.memory_space<vmem>>, vector<16xf32>,
          %get3A_151 = arith.index_cast %mul3A_149 : i32 to index
          %get3A_152 = tpu.vector_load %arg9[%get3A_151] {strides = array<i32>} : memref<4000xf32, #tpu.memory_space<vmem>>, vector<16xf32>,
          %get3A_153 = arith.index_cast %mul3A_149 : i32 to index
          %get3A_154 = tpu.vector_load %arg10[%get3A_153] {strides = array<i32>} : memref<4000xf32, #tpu.memory_space<vmem>>, vector<16xf32>,
          %get3A_155 = arith.index_cast %mul3A_149 : i32 to index
          %get3A_156 = tpu.vector_load %arg11[%get3A_155] {strides = array<i32>} : memref<4000xf32, #tpu.memory_space<vmem>>, vector<16xf32>,
          %neg3A = arith.constant 0.000000e+00 : f32
          %neg3A_157 = vector.broadcast %neg3A : f32 to vector<16xf32>
          %neg3A_158 = arith.subf %neg3A_157, %get3A_156 : vector<16xf32>
          %exp3A = math.exp %neg3A_158 : vector<16xf32>
          %add3A_159 = arith.constant 1.000000e+00 : f32
          %add3A_160 = vector.broadcast %add3A_159 : f32 to vector<16xf32>
          %add3A_161 = arith.addf %add3A_160, %exp3A : vector<16xf32>
          %max3A = arith.constant 1.000000e-01 : f32
          %max3A_162 = vector.broadcast %max3A : f32 to vector<16xf32>
          %max3A_163 = arith.maximumf %get3A_154, %max3A_162 : vector<16xf32>
          %mul3A_164 = arith.mulf %add3A_161, %max3A_163 : vector<16xf32>
          %div3A_165 = arith.constant 1.000000e+00 : f32
          %div3A_166 = vector.broadcast %div3A_165 : f32 to vector<16xf32>
          %div3A_167 = arith.divf %div3A_166, %mul3A_164 : vector<16xf32>
          %mul3A_168 = arith.mulf %max3A_163, %div3A_167 : vector<16xf32>
          %mul3A_169 = arith.mulf %add3A_161, %div3A_167 : vector<16xf32>
          %mul3A_170 = arith.mulf %get3A_150, %mul3A_169 : vector<16xf32>
          %add3A_171 = arith.constant 5.000000e-01 : f32
          %add3A_172 = vector.broadcast %add3A_171 : f32 to vector<16xf32>
          %add3A_173 = arith.addf %mul3A_170, %add3A_172 : vector<16xf32>
          %mul3A_174 = arith.constant 2.560000e+02 : f32
          %mul3A_175 = vector.broadcast %mul3A_174 : f32 to vector<16xf32>
          %mul3A_176 = arith.mulf %add3A_173, %mul3A_175 : vector<16xf32>
          %mul3A_177 = arith.mulf %get3A_152, %mul3A_169 : vector<16xf32>
          %add3A_178 = arith.constant 5.000000e-01 : f32
          %add3A_179 = vector.broadcast %add3A_178 : f32 to vector<16xf32>
          %add3A_180 = arith.addf %mul3A_177, %add3A_179 : vector<16xf32>
          %mul3A_181 = arith.constant 2.560000e+02 : f32
          %mul3A_182 = vector.broadcast %mul3A_181 : f32 to vector<16xf32>
          %mul3A_183 = arith.mulf %add3A_180, %mul3A_182 : vector<16xf32>
          %gt3A_184 = arith.constant 1.000000e-01 : f32
          %gt3A_185 = vector.broadcast %gt3A_184 : f32 to vector<16xf32>
          %gt3A_186 = arith.cmpf ogt, %get3A_154, %gt3A_185 : vector<16xf32>
          %ge3A = arith.constant 0.000000e+00 : f32
          %ge3A_187 = vector.broadcast %ge3A : f32 to vector<16xf32>
          %ge3A_188 = arith.cmpf oge, %mul3A_176, %ge3A_187 : vector<16xf32>
          %and3A_189 = arith.andi %gt3A_186, %ge3A_188 : vector<16xi1>
          %lt3A_190 = arith.constant 2.560000e+02 : f32
          %lt3A_191 = vector.broadcast %lt3A_190 : f32 to vector<16xf32>
          %lt3A_192 = arith.cmpf olt, %mul3A_176, %lt3A_191 : vector<16xf32>
          %and3A_193 = arith.andi %and3A_189, %lt3A_192 : vector<16xi1>
          %ge3A_194 = arith.constant 0.000000e+00 : f32
          %ge3A_195 = vector.broadcast %ge3A_194 : f32 to vector<16xf32>
          %ge3A_196 = arith.cmpf oge, %mul3A_183, %ge3A_195 : vector<16xf32>
          %and3A_197 = arith.andi %and3A_193, %ge3A_196 : vector<16xi1>
          %lt3A_198 = arith.constant 2.560000e+02 : f32
          %lt3A_199 = vector.broadcast %lt3A_198 : f32 to vector<16xf32>
          %lt3A_200 = arith.cmpf olt, %mul3A_183, %lt3A_199 : vector<16xf32>
          %and3A_201 = arith.andi %and3A_197, %lt3A_200 : vector<16xi1>
          %convert_element_type3A_202 = arith.fptosi %mul3A_176 : vector<16xf32> to vector<16xi32>
          %convert_element_type3A_203 = arith.fptosi %mul3A_183 : vector<16xf32> to vector<16xi32>
          %convert_element_type3A_204 = arith.sitofp %convert_element_type3A_202 : vector<16xi32> to vector<16xf32>
          %gt3A_205 = arith.cmpf ogt, %convert_element_type3A_204, %mul3A_176 : vector<16xf32>
          %jit3A_206 = arith.constant 1 : i32
          %jit3A_207 = arith.constant 0 : i32
          %broadcast_in_dim3A = vector.broadcast %jit3A_206 : i32 to vector<16xi32>
          %broadcast_in_dim3A_208 = vector.broadcast %jit3A_207 : i32 to vector<16xi32>
          %select_n3A_209 = arith.select %gt3A_205, %broadcast_in_dim3A, %broadcast_in_dim3A_208 : vector<16xi1>, vector<16xi32>
          %sub3A_210 = arith.subi %convert_element_type3A_202, %select_n3A_209 : vector<16xi32>
          %convert_element_type3A_211 = arith.sitofp %convert_element_type3A_203 : vector<16xi32> to vector<16xf32>
          %gt3A_212 = arith.cmpf ogt, %convert_element_type3A_211, %mul3A_183 : vector<16xf32>
          %jit3A_213 = arith.constant 1 : i32
          %jit3A_214 = arith.constant 0 : i32
          %broadcast_in_dim3A_215 = vector.broadcast %jit3A_213 : i32 to vector<16xi32>
          %broadcast_in_dim3A_216 = vector.broadcast %jit3A_214 : i32 to vector<16xi32>
          %select_n3A_217 = arith.select %gt3A_212, %broadcast_in_dim3A_215, %broadcast_in_dim3A_216 : vector<16xi1>, vector<16xi32>
          %sub3A_218 = arith.subi %convert_element_type3A_203, %select_n3A_217 : vector<16xi32>
          %max3A_219 = arith.constant 0 : i32
          %max3A_220 = vector.broadcast %max3A_219 : i32 to vector<16xi32>
          %max3A_221 = arith.maxsi %sub3A_210, %max3A_220 : vector<16xi32>
          %min3A = arith.constant 255 : i32
          %min3A_222 = vector.broadcast %min3A : i32 to vector<16xi32>
          %min3A_223 = arith.minsi %max3A_221, %min3A_222 : vector<16xi32>
          %max3A_224 = arith.constant 0 : i32
          %max3A_225 = vector.broadcast %max3A_224 : i32 to vector<16xi32>
          %max3A_226 = arith.maxsi %sub3A_218, %max3A_225 : vector<16xi32>
          %min3A_227 = arith.constant 255 : i32
          %min3A_228 = vector.broadcast %min3A_227 : i32 to vector<16xi32>
          %min3A_229 = arith.minsi %max3A_226, %min3A_228 : vector<16xi32>
          %eq3A_230 = arith.constant 0 : i32
          %eq3A_231 = arith.cmpi eq, %select_n3A_54, %eq3A_230 : i32
          %mul3A_232 = arith.mulf %max3A_163, %mul3A_168 : vector<16xf32>
          %select_n3A_233 = arith.select %eq3A_231, %mul3A_232, %mul3A_168 : vector<16xf32>
          %jit3A_234 = arith.constant 0.000000e+00 : f32
          %broadcast_in_dim3A_235 = vector.broadcast %jit3A_234 : f32 to vector<16xf32>
          %select_n3A_236 = arith.select %and3A_201, %select_n3A_233, %broadcast_in_dim3A_235 : vector<16xi1>, vector<16xf32>
          %mul3A_237 = arith.constant 256 : i32
          %mul3A_238 = vector.broadcast %mul3A_237 : i32 to vector<16xi32>
          %mul3A_239 = arith.muli %min3A_229, %mul3A_238 : vector<16xi32>
          %add3A_240 = arith.addi %mul3A_239, %min3A_223 : vector<16xi32>
          tpu.vector_store_idx %arg16[%add3A_240], %select_n3A_236 {add = true} : memref<65536xf32, #tpu.memory_space<vmem>>[vector<16xi32>], vector<16xf32>,
        }
        %scan3A_146 = arith.constant 250 : i32
      } else {
      }
      %mul3A_105 = arith.constant 2 : i32
      %mul3A_106 = arith.muli %scan3A_90, %mul3A_105 : i32
      %add3A_107 = arith.constant 1 : i32
      %add3A_108 = arith.addi %mul3A_106, %add3A_107 : i32
      %add3A_109 = arith.constant 1 : i32
      %add3A_110 = arith.addi %add3A_108, %add3A_109 : i32
      %lt3A_111 = arith.cmpi slt, %add3A_110, %select_n3A_80 : i32
      %convert_element_type3A_112 = arith.extui %lt3A_111 : i1 to i32
      %cond3A_113 = arith.constant 0 : i32
      %cond3A_114 = arith.cmpi ne, %convert_element_type3A_112, %cond3A_113 : i32
      scf.if %cond3A_114 {
        %mul3A_119 = arith.constant 4000 : i32
        %mul3A_120 = arith.muli %add3A_110, %mul3A_119 : i32
        %add3A_121 = arith.addi %add3A_75, %mul3A_120 : i32
        %dma_start3A = arith.constant 0 : i32
        %dma_start3A_122 = tpu.memref_slice %arg2[%add3A_121] : memref<2000000xf32, #tpu.memory_space<hbm>> -> memref<4000xf32, #tpu.memory_space<hbm>>
        %dma_start3A_123 = tpu.memref_slice %arg17[%dma_start3A] : memref<2x!tpu.dma_semaphore, #tpu.memory_space<semaphore_mem>> -> memref<1x!tpu.dma_semaphore, #tpu.memory_space<semaphore_mem>>
        %dma_start3A_124 = tpu.memref_squeeze %dma_start3A_123 : memref<1x!tpu.dma_semaphore, #tpu.memory_space<semaphore_mem>> -> memref<!tpu.dma_semaphore, #tpu.memory_space<semaphore_mem>>
        %dma_start3A_125 = tpu.memref_slice %arg2[%add3A_121] : memref<2000000xf32, #tpu.memory_space<hbm>> -> memref<4000xf32, #tpu.memory_space<hbm>>
        tpu.enqueue_dma source(%dma_start3A_125 : memref<4000xf32, #tpu.memory_space<hbm>>) target(%arg8 : memref<4000xf32, #tpu.memory_space<vmem>>) target_semaphore(%dma_start3A_124 : memref<!tpu.dma_semaphore, #tpu.memory_space<semaphore_mem>>)
        %dma_start3A_126 = arith.constant 0 : i32
        %dma_start3A_127 = tpu.memref_slice %arg3[%add3A_121] : memref<2000000xf32, #tpu.memory_space<hbm>> -> memref<4000xf32, #tpu.memory_space<hbm>>
        %dma_start3A_128 = tpu.memref_slice %arg17[%dma_start3A_126] : memref<2x!tpu.dma_semaphore, #tpu.memory_space<semaphore_mem>> -> memref<1x!tpu.dma_semaphore, #tpu.memory_space<semaphore_mem>>
        %dma_start3A_129 = tpu.memref_squeeze %dma_start3A_128 : memref<1x!tpu.dma_semaphore, #tpu.memory_space<semaphore_mem>> -> memref<!tpu.dma_semaphore, #tpu.memory_space<semaphore_mem>>
        %dma_start3A_130 = tpu.memref_slice %arg3[%add3A_121] : memref<2000000xf32, #tpu.memory_space<hbm>> -> memref<4000xf32, #tpu.memory_space<hbm>>
        tpu.enqueue_dma source(%dma_start3A_130 : memref<4000xf32, #tpu.memory_space<hbm>>) target(%arg9 : memref<4000xf32, #tpu.memory_space<vmem>>) target_semaphore(%dma_start3A_129 : memref<!tpu.dma_semaphore, #tpu.memory_space<semaphore_mem>>)
        %dma_start3A_131 = arith.constant 0 : i32
        %dma_start3A_132 = tpu.memref_slice %arg4[%add3A_121] : memref<2000000xf32, #tpu.memory_space<hbm>> -> memref<4000xf32, #tpu.memory_space<hbm>>
        %dma_start3A_133 = tpu.memref_slice %arg17[%dma_start3A_131] : memref<2x!tpu.dma_semaphore, #tpu.memory_space<semaphore_mem>> -> memref<1x!tpu.dma_semaphore, #tpu.memory_space<semaphore_mem>>
        %dma_start3A_134 = tpu.memref_squeeze %dma_start3A_133 : memref<1x!tpu.dma_semaphore, #tpu.memory_space<semaphore_mem>> -> memref<!tpu.dma_semaphore, #tpu.memory_space<semaphore_mem>>
        %dma_start3A_135 = tpu.memref_slice %arg4[%add3A_121] : memref<2000000xf32, #tpu.memory_space<hbm>> -> memref<4000xf32, #tpu.memory_space<hbm>>
        tpu.enqueue_dma source(%dma_start3A_135 : memref<4000xf32, #tpu.memory_space<hbm>>) target(%arg10 : memref<4000xf32, #tpu.memory_space<vmem>>) target_semaphore(%dma_start3A_134 : memref<!tpu.dma_semaphore, #tpu.memory_space<semaphore_mem>>)
        %dma_start3A_136 = arith.constant 0 : i32
        %dma_start3A_137 = tpu.memref_slice %arg5[%add3A_121] : memref<2000000xf32, #tpu.memory_space<hbm>> -> memref<4000xf32, #tpu.memory_space<hbm>>
        %dma_start3A_138 = tpu.memref_slice %arg17[%dma_start3A_136] : memref<2x!tpu.dma_semaphore, #tpu.memory_space<semaphore_mem>> -> memref<1x!tpu.dma_semaphore, #tpu.memory_space<semaphore_mem>>
        %dma_start3A_139 = tpu.memref_squeeze %dma_start3A_138 : memref<1x!tpu.dma_semaphore, #tpu.memory_space<semaphore_mem>> -> memref<!tpu.dma_semaphore, #tpu.memory_space<semaphore_mem>>
        %dma_start3A_140 = tpu.memref_slice %arg5[%add3A_121] : memref<2000000xf32, #tpu.memory_space<hbm>> -> memref<4000xf32, #tpu.memory_space<hbm>>
        tpu.enqueue_dma source(%dma_start3A_140 : memref<4000xf32, #tpu.memory_space<hbm>>) target(%arg11 : memref<4000xf32, #tpu.memory_space<vmem>>) target_semaphore(%dma_start3A_139 : memref<!tpu.dma_semaphore, #tpu.memory_space<semaphore_mem>>)
      } else {
      }
      %lt3A_115 = arith.cmpi slt, %add3A_108, %select_n3A_80 : i32
      %convert_element_type3A_116 = arith.extui %lt3A_115 : i1 to i32
      %cond3A_117 = arith.constant 0 : i32
      %cond3A_118 = arith.cmpi ne, %convert_element_type3A_116, %cond3A_117 : i32
      scf.if %cond3A_118 {
        %mul3A_119 = arith.constant 4000 : i32
        %mul3A_120 = arith.muli %add3A_108, %mul3A_119 : i32
        %add3A_121 = arith.addi %add3A_75, %mul3A_120 : i32
        %dma_wait3A = arith.constant 1 : i32
        %dma_wait3A_122 = tpu.memref_slice %arg2[%add3A_121] : memref<2000000xf32, #tpu.memory_space<hbm>> -> memref<4000xf32, #tpu.memory_space<hbm>>
        %dma_wait3A_123 = tpu.memref_slice %arg17[%dma_wait3A] : memref<2x!tpu.dma_semaphore, #tpu.memory_space<semaphore_mem>> -> memref<1x!tpu.dma_semaphore, #tpu.memory_space<semaphore_mem>>
        %dma_wait3A_124 = tpu.memref_squeeze %dma_wait3A_123 : memref<1x!tpu.dma_semaphore, #tpu.memory_space<semaphore_mem>> -> memref<!tpu.dma_semaphore, #tpu.memory_space<semaphore_mem>>
        %dma_wait3A_125 = tpu.memref_slice %arg2[%add3A_121] : memref<2000000xf32, #tpu.memory_space<hbm>> -> memref<4000xf32, #tpu.memory_space<hbm>>
        tpu.wait_dma2 semaphore(%dma_wait3A_124 : memref<!tpu.dma_semaphore, #tpu.memory_space<semaphore_mem>>) src(%dma_wait3A_125 : memref<4000xf32, #tpu.memory_space<hbm>>) dst(%arg12 : memref<4000xf32, #tpu.memory_space<vmem>>)
        %dma_wait3A_126 = arith.constant 1 : i32
        %dma_wait3A_127 = tpu.memref_slice %arg3[%add3A_121] : memref<2000000xf32, #tpu.memory_space<hbm>> -> memref<4000xf32, #tpu.memory_space<hbm>>
        %dma_wait3A_128 = tpu.memref_slice %arg17[%dma_wait3A_126] : memref<2x!tpu.dma_semaphore, #tpu.memory_space<semaphore_mem>> -> memref<1x!tpu.dma_semaphore, #tpu.memory_space<semaphore_mem>>
        %dma_wait3A_129 = tpu.memref_squeeze %dma_wait3A_128 : memref<1x!tpu.dma_semaphore, #tpu.memory_space<semaphore_mem>> -> memref<!tpu.dma_semaphore, #tpu.memory_space<semaphore_mem>>
        %dma_wait3A_130 = tpu.memref_slice %arg3[%add3A_121] : memref<2000000xf32, #tpu.memory_space<hbm>> -> memref<4000xf32, #tpu.memory_space<hbm>>
        tpu.wait_dma2 semaphore(%dma_wait3A_129 : memref<!tpu.dma_semaphore, #tpu.memory_space<semaphore_mem>>) src(%dma_wait3A_130 : memref<4000xf32, #tpu.memory_space<hbm>>) dst(%arg13 : memref<4000xf32, #tpu.memory_space<vmem>>)
        %dma_wait3A_131 = arith.constant 1 : i32
        %dma_wait3A_132 = tpu.memref_slice %arg4[%add3A_121] : memref<2000000xf32, #tpu.memory_space<hbm>> -> memref<4000xf32, #tpu.memory_space<hbm>>
        %dma_wait3A_133 = tpu.memref_slice %arg17[%dma_wait3A_131] : memref<2x!tpu.dma_semaphore, #tpu.memory_space<semaphore_mem>> -> memref<1x!tpu.dma_semaphore, #tpu.memory_space<semaphore_mem>>
        %dma_wait3A_134 = tpu.memref_squeeze %dma_wait3A_133 : memref<1x!tpu.dma_semaphore, #tpu.memory_space<semaphore_mem>> -> memref<!tpu.dma_semaphore, #tpu.memory_space<semaphore_mem>>
        %dma_wait3A_135 = tpu.memref_slice %arg4[%add3A_121] : memref<2000000xf32, #tpu.memory_space<hbm>> -> memref<4000xf32, #tpu.memory_space<hbm>>
        tpu.wait_dma2 semaphore(%dma_wait3A_134 : memref<!tpu.dma_semaphore, #tpu.memory_space<semaphore_mem>>) src(%dma_wait3A_135 : memref<4000xf32, #tpu.memory_space<hbm>>) dst(%arg14 : memref<4000xf32, #tpu.memory_space<vmem>>)
        %dma_wait3A_136 = arith.constant 1 : i32
        %dma_wait3A_137 = tpu.memref_slice %arg5[%add3A_121] : memref<2000000xf32, #tpu.memory_space<hbm>> -> memref<4000xf32, #tpu.memory_space<hbm>>
        %dma_wait3A_138 = tpu.memref_slice %arg17[%dma_wait3A_136] : memref<2x!tpu.dma_semaphore, #tpu.memory_space<semaphore_mem>> -> memref<1x!tpu.dma_semaphore, #tpu.memory_space<semaphore_mem>>
        %dma_wait3A_139 = tpu.memref_squeeze %dma_wait3A_138 : memref<1x!tpu.dma_semaphore, #tpu.memory_space<semaphore_mem>> -> memref<!tpu.dma_semaphore, #tpu.memory_space<semaphore_mem>>
        %dma_wait3A_140 = tpu.memref_slice %arg5[%add3A_121] : memref<2000000xf32, #tpu.memory_space<hbm>> -> memref<4000xf32, #tpu.memory_space<hbm>>
        tpu.wait_dma2 semaphore(%dma_wait3A_139 : memref<!tpu.dma_semaphore, #tpu.memory_space<semaphore_mem>>) src(%dma_wait3A_140 : memref<4000xf32, #tpu.memory_space<hbm>>) dst(%arg15 : memref<4000xf32, #tpu.memory_space<vmem>>)
        %scan3A_141 = arith.constant 0 : i32
        %scan3A_142 = arith.constant 0 : i32
        %scan3A_143 = arith.constant 250 : i32
        %scan3A_144 = arith.addi %scan3A_142, %scan3A_143 : i32
        %scan3A_145 = arith.constant 1 : i32
        scf.for %scan3A_147 = %scan3A_142 to %scan3A_144 step %scan3A_145  : i32 {
          %mul3A_148 = arith.constant 16 : i32
          %mul3A_149 = arith.muli %scan3A_147, %mul3A_148 : i32
          %get3A = arith.index_cast %mul3A_149 : i32 to index
          %get3A_150 = tpu.vector_load %arg12[%get3A] {strides = array<i32>} : memref<4000xf32, #tpu.memory_space<vmem>>, vector<16xf32>,
          %get3A_151 = arith.index_cast %mul3A_149 : i32 to index
          %get3A_152 = tpu.vector_load %arg13[%get3A_151] {strides = array<i32>} : memref<4000xf32, #tpu.memory_space<vmem>>, vector<16xf32>,
          %get3A_153 = arith.index_cast %mul3A_149 : i32 to index
          %get3A_154 = tpu.vector_load %arg14[%get3A_153] {strides = array<i32>} : memref<4000xf32, #tpu.memory_space<vmem>>, vector<16xf32>,
          %get3A_155 = arith.index_cast %mul3A_149 : i32 to index
          %get3A_156 = tpu.vector_load %arg15[%get3A_155] {strides = array<i32>} : memref<4000xf32, #tpu.memory_space<vmem>>, vector<16xf32>,
          %neg3A = arith.constant 0.000000e+00 : f32
          %neg3A_157 = vector.broadcast %neg3A : f32 to vector<16xf32>
          %neg3A_158 = arith.subf %neg3A_157, %get3A_156 : vector<16xf32>
          %exp3A = math.exp %neg3A_158 : vector<16xf32>
          %add3A_159 = arith.constant 1.000000e+00 : f32
          %add3A_160 = vector.broadcast %add3A_159 : f32 to vector<16xf32>
          %add3A_161 = arith.addf %add3A_160, %exp3A : vector<16xf32>
          %max3A = arith.constant 1.000000e-01 : f32
          %max3A_162 = vector.broadcast %max3A : f32 to vector<16xf32>
          %max3A_163 = arith.maximumf %get3A_154, %max3A_162 : vector<16xf32>
          %mul3A_164 = arith.mulf %add3A_161, %max3A_163 : vector<16xf32>
          %div3A_165 = arith.constant 1.000000e+00 : f32
          %div3A_166 = vector.broadcast %div3A_165 : f32 to vector<16xf32>
          %div3A_167 = arith.divf %div3A_166, %mul3A_164 : vector<16xf32>
          %mul3A_168 = arith.mulf %max3A_163, %div3A_167 : vector<16xf32>
          %mul3A_169 = arith.mulf %add3A_161, %div3A_167 : vector<16xf32>
          %mul3A_170 = arith.mulf %get3A_150, %mul3A_169 : vector<16xf32>
          %add3A_171 = arith.constant 5.000000e-01 : f32
          %add3A_172 = vector.broadcast %add3A_171 : f32 to vector<16xf32>
          %add3A_173 = arith.addf %mul3A_170, %add3A_172 : vector<16xf32>
          %mul3A_174 = arith.constant 2.560000e+02 : f32
          %mul3A_175 = vector.broadcast %mul3A_174 : f32 to vector<16xf32>
          %mul3A_176 = arith.mulf %add3A_173, %mul3A_175 : vector<16xf32>
          %mul3A_177 = arith.mulf %get3A_152, %mul3A_169 : vector<16xf32>
          %add3A_178 = arith.constant 5.000000e-01 : f32
          %add3A_179 = vector.broadcast %add3A_178 : f32 to vector<16xf32>
          %add3A_180 = arith.addf %mul3A_177, %add3A_179 : vector<16xf32>
          %mul3A_181 = arith.constant 2.560000e+02 : f32
          %mul3A_182 = vector.broadcast %mul3A_181 : f32 to vector<16xf32>
          %mul3A_183 = arith.mulf %add3A_180, %mul3A_182 : vector<16xf32>
          %gt3A_184 = arith.constant 1.000000e-01 : f32
          %gt3A_185 = vector.broadcast %gt3A_184 : f32 to vector<16xf32>
          %gt3A_186 = arith.cmpf ogt, %get3A_154, %gt3A_185 : vector<16xf32>
          %ge3A = arith.constant 0.000000e+00 : f32
          %ge3A_187 = vector.broadcast %ge3A : f32 to vector<16xf32>
          %ge3A_188 = arith.cmpf oge, %mul3A_176, %ge3A_187 : vector<16xf32>
          %and3A_189 = arith.andi %gt3A_186, %ge3A_188 : vector<16xi1>
          %lt3A_190 = arith.constant 2.560000e+02 : f32
          %lt3A_191 = vector.broadcast %lt3A_190 : f32 to vector<16xf32>
          %lt3A_192 = arith.cmpf olt, %mul3A_176, %lt3A_191 : vector<16xf32>
          %and3A_193 = arith.andi %and3A_189, %lt3A_192 : vector<16xi1>
          %ge3A_194 = arith.constant 0.000000e+00 : f32
          %ge3A_195 = vector.broadcast %ge3A_194 : f32 to vector<16xf32>
          %ge3A_196 = arith.cmpf oge, %mul3A_183, %ge3A_195 : vector<16xf32>
          %and3A_197 = arith.andi %and3A_193, %ge3A_196 : vector<16xi1>
          %lt3A_198 = arith.constant 2.560000e+02 : f32
          %lt3A_199 = vector.broadcast %lt3A_198 : f32 to vector<16xf32>
          %lt3A_200 = arith.cmpf olt, %mul3A_183, %lt3A_199 : vector<16xf32>
          %and3A_201 = arith.andi %and3A_197, %lt3A_200 : vector<16xi1>
          %convert_element_type3A_202 = arith.fptosi %mul3A_176 : vector<16xf32> to vector<16xi32>
          %convert_element_type3A_203 = arith.fptosi %mul3A_183 : vector<16xf32> to vector<16xi32>
          %convert_element_type3A_204 = arith.sitofp %convert_element_type3A_202 : vector<16xi32> to vector<16xf32>
          %gt3A_205 = arith.cmpf ogt, %convert_element_type3A_204, %mul3A_176 : vector<16xf32>
          %jit3A_206 = arith.constant 1 : i32
          %jit3A_207 = arith.constant 0 : i32
          %broadcast_in_dim3A = vector.broadcast %jit3A_206 : i32 to vector<16xi32>
          %broadcast_in_dim3A_208 = vector.broadcast %jit3A_207 : i32 to vector<16xi32>
          %select_n3A_209 = arith.select %gt3A_205, %broadcast_in_dim3A, %broadcast_in_dim3A_208 : vector<16xi1>, vector<16xi32>
          %sub3A_210 = arith.subi %convert_element_type3A_202, %select_n3A_209 : vector<16xi32>
          %convert_element_type3A_211 = arith.sitofp %convert_element_type3A_203 : vector<16xi32> to vector<16xf32>
          %gt3A_212 = arith.cmpf ogt, %convert_element_type3A_211, %mul3A_183 : vector<16xf32>
          %jit3A_213 = arith.constant 1 : i32
          %jit3A_214 = arith.constant 0 : i32
          %broadcast_in_dim3A_215 = vector.broadcast %jit3A_213 : i32 to vector<16xi32>
          %broadcast_in_dim3A_216 = vector.broadcast %jit3A_214 : i32 to vector<16xi32>
          %select_n3A_217 = arith.select %gt3A_212, %broadcast_in_dim3A_215, %broadcast_in_dim3A_216 : vector<16xi1>, vector<16xi32>
          %sub3A_218 = arith.subi %convert_element_type3A_203, %select_n3A_217 : vector<16xi32>
          %max3A_219 = arith.constant 0 : i32
          %max3A_220 = vector.broadcast %max3A_219 : i32 to vector<16xi32>
          %max3A_221 = arith.maxsi %sub3A_210, %max3A_220 : vector<16xi32>
          %min3A = arith.constant 255 : i32
          %min3A_222 = vector.broadcast %min3A : i32 to vector<16xi32>
          %min3A_223 = arith.minsi %max3A_221, %min3A_222 : vector<16xi32>
          %max3A_224 = arith.constant 0 : i32
          %max3A_225 = vector.broadcast %max3A_224 : i32 to vector<16xi32>
          %max3A_226 = arith.maxsi %sub3A_218, %max3A_225 : vector<16xi32>
          %min3A_227 = arith.constant 255 : i32
          %min3A_228 = vector.broadcast %min3A_227 : i32 to vector<16xi32>
          %min3A_229 = arith.minsi %max3A_226, %min3A_228 : vector<16xi32>
          %eq3A_230 = arith.constant 0 : i32
          %eq3A_231 = arith.cmpi eq, %select_n3A_54, %eq3A_230 : i32
          %mul3A_232 = arith.mulf %max3A_163, %mul3A_168 : vector<16xf32>
          %select_n3A_233 = arith.select %eq3A_231, %mul3A_232, %mul3A_168 : vector<16xf32>
          %jit3A_234 = arith.constant 0.000000e+00 : f32
          %broadcast_in_dim3A_235 = vector.broadcast %jit3A_234 : f32 to vector<16xf32>
          %select_n3A_236 = arith.select %and3A_201, %select_n3A_233, %broadcast_in_dim3A_235 : vector<16xi1>, vector<16xf32>
          %mul3A_237 = arith.constant 256 : i32
          %mul3A_238 = vector.broadcast %mul3A_237 : i32 to vector<16xi32>
          %mul3A_239 = arith.muli %min3A_229, %mul3A_238 : vector<16xi32>
          %add3A_240 = arith.addi %mul3A_239, %min3A_223 : vector<16xi32>
          tpu.vector_store_idx %arg16[%add3A_240], %select_n3A_236 {add = true} : memref<65536xf32, #tpu.memory_space<vmem>>[vector<16xi32>], vector<16xf32>,
        }
        %scan3A_146 = arith.constant 250 : i32
      } else {
      }
    }
    %scan3A_87 = arith.constant 16 : i32
    %mul3A_88 = arith.constant 65536 : i32
    %mul3A_89 = arith.muli %add3A, %mul3A_88 : i32
    "tpu.region"() ({
      %run_scoped3A = tpu.sem_alloc : memref<!tpu.dma_semaphore, #tpu.memory_space<semaphore_mem>>
      %dma_start3A = tpu.memref_slice %arg7[%mul3A_89] : memref<2097152xf32, #tpu.memory_space<hbm>> -> memref<65536xf32, #tpu.memory_space<hbm>>
      %dma_start3A_90 = tpu.memref_slice %arg7[%mul3A_89] : memref<2097152xf32, #tpu.memory_space<hbm>> -> memref<65536xf32, #tpu.memory_space<hbm>>
      tpu.enqueue_dma source(%arg16 : memref<65536xf32, #tpu.memory_space<vmem>>) target(%dma_start3A_90 : memref<65536xf32, #tpu.memory_space<hbm>>) target_semaphore(%run_scoped3A : memref<!tpu.dma_semaphore, #tpu.memory_space<semaphore_mem>>)
      %dma_wait3A = tpu.memref_slice %arg7[%mul3A_89] : memref<2097152xf32, #tpu.memory_space<hbm>> -> memref<65536xf32, #tpu.memory_space<hbm>>
      %dma_wait3A_91 = tpu.memref_slice %arg7[%mul3A_89] : memref<2097152xf32, #tpu.memory_space<hbm>> -> memref<65536xf32, #tpu.memory_space<hbm>>
      tpu.wait_dma2 semaphore(%run_scoped3A : memref<!tpu.dma_semaphore, #tpu.memory_space<semaphore_mem>>) src(%arg16 : memref<65536xf32, #tpu.memory_space<vmem>>) dst(%dma_wait3A_91 : memref<65536xf32, #tpu.memory_space<hbm>>)
      tpu.yield
    }) : () -> ()
    return
  }
}

</mosaic_0001>

<sc_bundles>
// kernel: _scatter.3.cloned.1.call-start
scs
__scs_entry_jumppad:
0x0: {  	(pc) =	sbr.rel $0x88, $3  }
0x1: {  	(tag) =	ssettag $0x0;
	lr =	simm.s32 $0x1  }
0x2: {  	[smem:$0x3F9C] =	sst lr;
	_ =	strace $0xD0000000  }
0x3: {  	_ = 	snop  }
0x4: {  	_ = 	snop  }
0x5: {  	_ = 	snop  }
0x6: {  	_ = 	snop  }
0x7: {  	_ = 	snop  }
__scs_overlays_trampoline_lowered:
0x8: {  	[smem:$0x3FAB] =	sst s0  }
0x9: {  	[smem:$0x3FAC] =	sst s1  }
0xa: {  	[smem:$0x3FAD] =	sst s2  }
0xb: {  	[smem:$0x3FAE] =	sst s3  }
0xc: {  	[smem:$0x3FAF] =	sst s4  }
0xd: {  	[smem:$0x3FB0] =	sst s5  }
0xe: {  	[smem:$0x3FB1] =	sst s6  }
0xf: {  	[smem:$0x3FB2] =	sst s7  }
0x10: {  	[smem:$0x3FB3] =	sst s8  }
0x11: {  	[smem:$0x3FB4] =	sst s9;
	s0 =	simm.s32 @!p0 $0x0  }
0x12: {  	s1 =	sld [smem:$0x3F9A];
	s0 =	simm.s32 @p0 $0x1  }
0x13: {  	[smem:$0x3FB5] =	sst s0;
	s0 =	simm.s32 @!p1 $0x0  }
0x14: {  	s2 =	sld [smem:$0x3F99];
	s0 =	simm.s32 @p1 $0x1  }
0x15: {  	[smem:$0x3FB6] =	sst s0;
	s0 =	simm.s32 @!p2 $0x0  }
0x16: {  	s3 =	sld [smem:$0x3FDB];
	s0 =	simm.s32 @p2 $0x1  }
0x17: {  	s4 =	simm.s32 $0x1BF5;
	[smem:$0x3FB8] =	sst s0  }
0x18: {  	s0 =	sld [smem:$0x3F9B];
	_ =	swait.ge [sflag:s4], $0x0  }
0x19: {  	s7 =	sld [smem:$0x3F9C]  }
0x1a: {  	s8 =	sadd.s32 $0xFFFFE003, lr  }
0x1b: {  	s9 =	sadd.s32 $0xFFFFFEF7, lr;
	s5 =	simm.s32 $0xFFFFFFFF;
	p2 =	slt.u32 s8, $0xFFFFF086  }
0x1c: {  	p1 =	slt.u32 s9, $0xF7A;
	s5 =	simm.s32 @!p2 $0x0  }
0x1d: {  	s5 =	simm.s32 @p1 $0x1;
	p0 =	seq.s32 s7, s2  }
0x1e: {  	s7 =	smul.u32 @!p0 $0xF7A, s2;
	p2 =	seq.s32 @!p0 s5, $0x0  }
0x1f: {  	s9 =	smul.u32 $0xF7A, s1;
	s8 =	simm.s32 @!p0 $0x1BF5;
	p2 =	por !p2, p0  }
0x20: {  	[sflag:s8] =	ssyncset.s32 @!p0 $0xFFFFF086;
	s6 =	sadd.s32 @!p0 s3, s7;
	s7 =	simm.s32 @!p0 $0x108  }
0x21: {  	s3 =	sadd.s32 s3, s9;
	s6 =	sadd.s32 @!p0 $0x88, s6;
	s7 =	simm.s32 @p2 $0x1082  }
0x22: {  	[simem:s7], [sflag:s8] =	dma.local @!p0 [hbm:s6], $0xF7A  }
0x23: {  	s9 =	sor.u32 $0xD0000000, s2;
	s6 =	simm.s32 $0x108;
	_ =	swait.ge @!p0 [sflag:s8], $0x0  }
0x24: {  	s3 =	sadd.s32 $0x88, s3;
	s6 =	simm.s32 @!p1 $0x1082;
	[sflag:s4] =	ssyncset.s32 $0xFFFFF086  }
0x25: {  	[simem:s6], [sflag:s4] =	dma.local [hbm:s3], $0xF7A  }
0x26: {  	[smem:$0x3F9C] =	sst s1;
	(tag) =	ssettag s2;
	_ =	strace s9  }
0x27: {  	s1 =	sld [smem:$0x3FAC]  }
0x28: {  	s2 =	sld [smem:$0x3FAD]  }
0x29: {  	s4 =	sld [smem:$0x3FAF]  }
0x2a: {  	p0 =	seq.s32 s5, $0x0;
	s5 =	sld [smem:$0x3FB0]  }
0x2b: {  	s6 =	sld [smem:$0x3FB1]  }
0x2c: {  	s7 =	sld [smem:$0x3FB2]  }
0x2d: {  	s3 =	simm.s32 $0x108;
	s8 =	sld [smem:$0x3FB3]  }
0x2e: {  	s3 =	simm.s32 @!p0 $0x1082;
	s9 =	sld [smem:$0x3FB4]  }
0x2f: {  	lr =	sadd.s32 s0, s3;
	s0 =	sld [smem:$0x3FAB]  }
0x30: {  	s3 =	sld [smem:$0x3FAE]  }
0x31: {  	[smem:$0x3FB7] =	sst s10  }
0x32: {  	s10 =	sld [smem:$0x3FB5];
	_ =	sdelay $0x3  }
0x33: {  	p0 =	seq.s32 s10, $0x1;
	s10 =	sld [smem:$0x3FB7];
	_ =	sdelay $0x3  }
0x34: {  	[smem:$0x3FB7] =	sst s10  }
0x35: {  	s10 =	sld [smem:$0x3FB6];
	_ =	sdelay $0x3  }
0x36: {  	p1 =	seq.s32 s10, $0x1;
	s10 =	sld [smem:$0x3FB7];
	_ =	sdelay $0x3  }
0x37: {  	[smem:$0x3FB7] =	sst s10  }
0x38: {  	s10 =	sld [smem:$0x3FB8]  }
0x39: {  	_ = 	snop;
	(pc) =	sbr.ind lr, $3  }
0x3a: {  	_ = 	snop  }
0x3b: {  	_ = 	snop  }
0x3c: {  	p2 =	seq.s32 s10, $0x1;
	s10 =	sld [smem:$0x3FB7]  }
0x3d: {  	_ =	shalt  }
0x3e: {  	_ =	shalt  }
0x3f: {  	_ =	shalt  }
0x40: {  	_ =	shalt  }
0x41: {  	_ =	shalt  }
0x42: {  	_ =	shalt  }
0x43: {  	_ =	shalt  }
0x44: {  	_ =	shalt  }
0x45: {  	_ =	shalt  }
0x46: {  	_ =	shalt  }
0x47: {  	_ =	shalt  }
0x48: {  	_ =	shalt  }
0x49: {  	_ =	shalt  }
0x4a: {  	_ =	shalt  }
0x4b: {  	_ =	shalt  }
0x4c: {  	_ =	shalt  }
0x4d: {  	_ =	shalt  }
0x4e: {  	_ =	shalt  }
0x4f: {  	_ =	shalt  }
0x50: {  	_ =	shalt  }
0x51: {  	_ =	shalt  }
0x52: {  	_ =	shalt  }
0x53: {  	_ =	shalt  }
0x54: {  	_ =	shalt  }
0x55: {  	_ =	shalt  }
0x56: {  	_ =	shalt  }
0x57: {  	_ =	shalt  }
0x58: {  	_ =	shalt  }
0x59: {  	_ =	shalt  }
0x5a: {  	_ =	shalt  }
0x5b: {  	_ =	shalt  }
0x5c: {  	_ =	shalt  }
0x5d: {  	_ =	shalt  }
0x5e: {  	_ =	shalt  }
0x5f: {  	_ =	shalt  }
0x60: {  	_ =	shalt  }
0x61: {  	_ =	shalt  }
0x62: {  	_ =	shalt  }
0x63: {  	_ =	shalt  }
0x64: {  	_ =	shalt  }
0x65: {  	_ =	shalt  }
0x66: {  	_ =	shalt  }
0x67: {  	_ =	shalt  }
0x68: {  	_ =	shalt  }
0x69: {  	_ =	shalt  }
0x6a: {  	_ =	shalt  }
0x6b: {  	_ =	shalt  }
0x6c: {  	_ =	shalt  }
0x6d: {  	_ =	shalt  }
0x6e: {  	_ =	shalt  }
0x6f: {  	_ =	shalt  }
0x70: {  	_ =	shalt  }
0x71: {  	_ =	shalt  }
0x72: {  	_ =	shalt  }
0x73: {  	_ =	shalt  }
0x74: {  	_ =	shalt  }
0x75: {  	_ =	shalt  }
0x76: {  	_ =	shalt  }
0x77: {  	_ =	shalt  }
0x78: {  	_ =	shalt  }
0x79: {  	_ =	shalt  }
0x7a: {  	_ =	shalt  }
0x7b: {  	_ =	shalt  }
0x7c: {  	_ =	shalt  }
0x7d: {  	_ =	shalt  }
0x7e: {  	_ =	shalt  }
0x7f: {  	_ =	shalt  }
0x80: {  	_ =	shalt  }
0x81: {  	_ =	shalt  }
0x82: {  	_ =	shalt  }
0x83: {  	_ =	shalt  }
0x84: {  	_ =	shalt  }
0x85: {  	_ =	shalt  }
0x86: {  	_ =	shalt  }
0x87: {  	_ =	shalt  }
.Lfunc_end0:
.L_simem_size_0:
called_computation_lowered:
.L_overlay_start_0:
0x88: {  	s2 =	sld [smem:$0x3FD9]  }
0x89: {  	s3 =	sld [smem:$0x3FFE];
	_ =	sdelay $0x1  }
0x8a: {  	s1 =	srdreg.scid  }
0x8b: {  	s0 =	sand.u32 $0x1, s1  }
0x8c: {  	s18 =	sshll.u32 s0, $0xA;
	s2 =	sadd.s32 s3, s2  }
0x8d: {  	s2 =	sadd.s32 s2, s18  }
0x8e: {  	[smem:$0x3FC3] =	sst s2  }
0x8f: {  	_ = 	snop  }
0x90: {  	s2 =	sld [smem:$0x3FC9]  }
0x91: {  	s19 =	sld [smem:$0x3FC8]  }
0x92: {  	s4 =	sld [smem:$0x3FC7]  }
0x93: {  	s5 =	sld [smem:$0x3FC6]  }
0x94: {  	s6 =	sld [smem:$0x3FC5]  }
0x95: {  	s7 =	sld [smem:$0x3FD0];
	(tm) =	ssettm $0x1  }
0x96: {  	s8 =	sld [smem:$0x3FFB];
	_ =	sdelay $0x3  }
0x97: {  	_ =	strace s8  }
0x98: {  	s8 =	sld [smem:$0x3FFC];
	_ =	sdelay $0x3  }
0x99: {  	_ =	strace s8  }
0x9a: {  	s8 =	sld [smem:$0x3FFD];
	_ =	sdelay $0x3  }
0x9b: {  	_ =	strace s8  }
0x9c: {  	_ =	strace $0x8FFFFFFF  }
0x9d: {  	s20 =	sld [smem:$0x3FDB];
	_ =	sdelay $0x1  }
0x9e: {  	s9 =	simm.s32 $_scs_section_size  }
0x9f: {  	s10 =	simm.s32 $_size__tile_overlayer_lowered;
	s11 =	simm.s32 $_tile_overlayer_lowered  }
0xa0: {  	s23 =	simm.s32 $0x1BFF;
	s22 =	sshll.u32 s11, $0x1;
	s8 =	sadd.s32 s9, s20  }
0xa1: {  	s12 =	simm.s32 $0x0;
	s21 =	sshll.u32 s10, $0x1;
	s10 =	sadd.s32 s22, s8  }
0xa2: {  	[timem:s12], [sflag:s23] =	dma.local [hbm:s10], s21  }
0xa3: {  	_ =	swait.ge [sflag:s23], s21  }
0xa4: {  	s9 =	ssub.s32 $0x0, s21;
	[sflag:s23] =	ssyncset.done $0x0  }
0xa5: {  	[sflag:s23] =	ssyncadd.s32 s9;
	_ =	sdelay $0x1  }
0xa6: {  	s24 =	simm.s32 $0x1B8B  }
0xa7: {  	_ =	swait.ge [sflag:s24], $0x1  }
0xa8: {  	[sflag:s24] =	ssyncset.done $0x0  }
0xa9: {  	s25 =	simm.s32 $0x1B8E;
	[sflag:s24] =	ssyncadd.s32 $0xFFFFFFFF  }
0xaa: {  	s26 =	simm.s32 $execute0_lowered;
	[smem:$0x3FD2] =	sst s25  }
0xab: {  	s9 =	sshll.u32 s26, $0x1;
	_ =	strace $0x80000046;
	[dreg:$0x1] =	wrdreg $0xFFFFFFFF  }
0xac: {  	s28 =	simm.s32 $_size_execute0_lowered;
	s8 =	sadd.s32 s8, s9;
	[dreg:$0x0] =	wrdreg $0x0  }
0xad: {  	s9 =	sshll.u32 s28, $0x1;
	[dreg:$0x2] =	wrdreg s8  }
0xae: {  	[dreg:$0x3] =	wrdreg s9  }
0xaf: {  	[dreg:$0x4] =	wrdreg $0xC0  }
0xb0: {  	_ =	task [dreg:s12], $0x5FFFF  }
0xb1: {  	[dreg:$0x1] =	wrdreg $0xFFFFFFFF  }
0xb2: {  	[dreg:$0x0] =	wrdreg $0x60  }
0xb3: {  	[dreg:$0x2] =	wrdreg s2  }
0xb4: {  	[dreg:$0x3] =	wrdreg s19  }
0xb5: {  	[dreg:$0x4] =	wrdreg s4  }
0xb6: {  	[dreg:$0x5] =	wrdreg s5  }
0xb7: {  	[dreg:$0x6] =	wrdreg s6  }
0xb8: {  	[dreg:$0x7] =	wrdreg s7  }
0xb9: {  	[dreg:$0x8] =	wrdreg $0x9  }
0xba: {  	_ =	task.clear_ibuf [dreg:s12], $0x9FFFF;
	_ =	strace $0x90000046  }
0xbb: {  	s29 =	simm.s32 $0x9;
	_ =	strace $0x80000048  }
0xbc: {  	_ =	swait.ge [sflag:s29], $0x1  }
0xbd: {  	[sflag:s29] =	ssyncadd.s32 $0xFFFFFFFF  }
0xbe: {  	_ =	strace $0x90000048  }
0xbf: {  	_ =	sfence  }
0xc0: {  	s30 =	sld [smem:$0x0];
	_ =	sdelay $0x2  }
0xc1: {  	s31 =	sshll.u32 s1, $0xD;
	s1 =	sshrl.u32 s1, $0x2  }
0xc2: {  	s3 =	sand.u32 $0x4000, s31;
	s1 =	sadd.s32 s1, s30  }
0xc3: {  	s0 =	sor.u32 s3, s0;
	s1 =	sshll.u32 s1, $0x11  }
0xc4: {  	s0 =	sor.u32 s1, s0  }
0xc5: {  	s0 =	sadd.s32 $0x8F2B, s0  }
0xc6: {  	[sflag:s0] =	ssyncadd.remote.s32 $0x1  }
0xc7: {  	_ =	sfence.sel $0xFFFF  }
0xc8: {  	[dreg:$0x0] =	wrdreg $0xFFFFFFFF;
	(pc) =	sbr.abs _section_cstart, $3  }
0xc9: {  	[dreg:$0x1] =	wrdreg $0xFFFFFFFF  }
0xca: {  	_ =	task.clear_ibuf [dreg:s12], $0x2FFFF;
	_ =	strace $0x9FFFFFFF  }
0xcb: {  	(tm) =	ssettm $0x7FFFFFFF  }
tec
execute0_lowered:
.L_overlay_start_1:
0x0: {  	(tag) =	ssettag $0x1  }
0x1: {  	s0 =	rddreg [dreg:$0x0]  }
0x2: {  	s2 =	rddreg [dreg:$0x1]  }
0x3: {  	s3 =	rddreg [dreg:$0x2]  }
0x4: {  	s4 =	rddreg [dreg:$0x3]  }
0x5: {  	s5 =	srdreg.scid;
	s6 =	rddreg [dreg:$0x4]  }
0x6: {  	s1 =	stileid.u32;
	s14 =	rddreg [dreg:$0x5];
	s18 =	simm.s32 $0x1000  }
0x7: {  	s19 =	simm.s32 $0x2000;
	s20 =	simm.s32 $0x3000;
	s21 =	simm.s32 $0x1  }
0x8: {  	s23 =	simm.s32 $0x0;
	s8 =	sand.u32 $0x1, s5;
	s31 =	sshll.u32 s1, $0x1  }
0x9: {  	s7 =	sshrl.u32 s1, $0x2;
	s5 =	rddreg [dreg:$0x6];
	s22 =	sand.u32 $0x2, s1  }
0xa: {  	s13 =	sor.u32 s8, s31;
	s10 =	smul.u32 $0x7A120, s7;
	s7 =	simm.s32 $0x0  }
0xb: {  	s8 =	ssub.s32 $0x2, s8;
	s9 =	sand.u32 $0x3, s13;
	[smem:$0x7FF] =	sst s7  }
0xc: {  	s12 =	sshrl.u32 s8, $0x1;
	s17 =	sshll.u32 s13, $0xD;
	s11 =	smul.u32 $0x1E460, s9  }
0xd: {  	_ =	strace $0x80000047;
	s15 =	ssub.s32 s8, s12;
	p0 =	seq.s32 s9, $0x3  }
.Ltmp0:
0xe: {  	s9 =	simm.s32 $0x20;
	s14 =	sadd.s32 s14, s17;
	(pc) =	sbr.rel .LBB2_1-.Ltmp0, $4  }
0xf: {  	s17 =	simm.s32 $0x3;
	s9 =	simm.s32 @!p0 $0x1F;
	s8 =	sadd.s32 s10, s11  }
0x10: {  	s15 =	smax.u32 s15, $0x1;
	p0 =	seq.s32 s22, $0x0;
	s16 =	sshrl.u32 s8, $0x3  }
0x11: {  	s22 =	simm.s32 $0x2;
	s10 =	sadd.s32 s0, s16;
	s11 =	sadd.s32 s2, s16  }
0x12: {  	v0 =	vimm.s32 $0x0;
	s12 =	sadd.s32 s3, s16;
	s13 =	sadd.s32 s4, s16;
	s16 =	simm.s32 $0x8000  }
.LBB2_11:
0x13: {  	s23 =	sadd.s32 $0x1, s23  }
0x14: {  	p1 =	sne.s32 s23, s15  }
.Ltmp1:
0x15: {  	_ = 	snop;
	(pc) =	sbr.rel @!p1 .LBB2_12-.Ltmp1, $4  }
0x16: {  	[hbm4b:s14+s7] =	stream.linear.scatter [tilespmem:s16], [sflag:$0x3], $0x10000, $0x38;
	[tilespmem:$0x18000] =	vst v63  }
0x17: {  	_ =	swait.ge [sflag:s17], $0x10000  }
0x18: {  	[sflag:s17] =	ssyncset.done $0x0  }
0x19: {  	[sflag:s17] =	ssyncadd.s32 $0xFFFF0000  }
.LBB2_1:
0x1a: {  	[tilespmem:s16], [sflag:$0x3] =	stream.linear.gather [hbm4b:s6+s7], $0x10000, $0x38;
	[tilespmem:$0x18000] =	vst v63  }
0x1b: {  	_ =	swait.ge [sflag:s17], $0x10000  }
0x1c: {  	[sflag:s17] =	ssyncset.done $0x0  }
0x1d: {  	[sflag:s17] =	ssyncadd.s32 $0xFFFF0000  }
0x1e: {  	[tilespmem:s7], [sflag:$0x1] =	stream.linear.gather [hbm4b:s10+s7], $0xFA0, $0x38;
	[tilespmem:$0x18000] =	vst v63  }
0x1f: {  	_ = 	snop  }
0x20: {  	[tilespmem:s18], [sflag:$0x1] =	stream.linear.gather [hbm4b:s11+s7], $0xFA0, $0x38;
	[tilespmem:$0x18000] =	vst v63  }
.Ltmp2:
0x21: {  	_ = 	snop;
	(pc) =	sbr.rel .LBB2_2-.Ltmp2, $4  }
0x22: {  	_ = 	snop  }
0x23: {  	[tilespmem:s19], [sflag:$0x1] =	stream.linear.gather [hbm4b:s12+s7], $0xFA0, $0x38;
	[tilespmem:$0x18000] =	vst v63  }
0x24: {  	s24 =	simm.s32 $0x0  }
0x25: {  	[tilespmem:s20], [sflag:$0x1] =	stream.linear.gather [hbm4b:s13+s7], $0xFA0, $0x38;
	[tilespmem:$0x18000] =	vst v63  }
.LBB2_10:
0x26: {  	s24 =	sadd.s32 $0x1, s24  }
0x27: {  	p1 =	sne.s32 s24, $0x10  }
.Ltmp3:
0x28: {  	_ = 	snop;
	(pc) =	sbr.rel @!p1 .LBB2_11-.Ltmp3, $1  }
0x29: {  	_ =	sdelay $0x3  }
.LBB2_2:
0x2a: {  	s25 =	sshllo.u32 s24, $0x1  }
0x2b: {  	p1 =	sge.u32 s25, s9  }
0x2c: {  	s25 =	smul.u32 @!p1 $0xFA0, s25;
	_ =	sdelay $0x1  }
0x2d: {  	s25 =	sadd.s32 @!p1 s8, s25  }
0x2e: {  	s26 =	sshrl.u32 @!p1 s25, $0x3  }
0x2f: {  	s28 =	simm.s32 @!p1 $0x0;
	s29 =	simm.s32 @!p1 $0x4000;
	s25 =	sadd.s32 @!p1 s0, s26  }
0x30: {  	[tilespmem:s29], [sflag:$0x2] =	stream.linear.gather @!p1 [hbm4b:s25+s28], $0xFA0, $0x38;
	[tilespmem:$0x18000] =	vst v63  }
0x31: {  	s25 =	sadd.s32 @!p1 s2, s26;
	s29 =	simm.s32 @!p1 $0x5000  }
0x32: {  	[tilespmem:s29], [sflag:$0x2] =	stream.linear.gather @!p1 [hbm4b:s25+s28], $0xFA0, $0x38;
	[tilespmem:$0x18000] =	vst v63  }
0x33: {  	s25 =	sadd.s32 @!p1 s3, s26;
	s29 =	simm.s32 @!p1 $0x6000  }
0x34: {  	[tilespmem:s29], [sflag:$0x2] =	stream.linear.gather @!p1 [hbm4b:s25+s28], $0xFA0, $0x38;
	[tilespmem:$0x18000] =	vst v63  }
0x35: {  	s25 =	sshll.u32 s24, $0x1  }
0x36: {  	p2 =	sge.u32 s25, s9  }
.Ltmp4:
0x37: {  	_ = 	snop;
	(pc) =	sbr.rel @p2 .LBB2_6-.Ltmp4, $3  }
0x38: {  	_ =	sdelay $0x1  }
0x39: {  	s26 =	sadd.s32 @!p1 s4, s26;
	s29 =	simm.s32 @!p1 $0x7000  }
0x3a: {  	[tilespmem:s29], [sflag:$0x2] =	stream.linear.gather @!p1 [hbm4b:s26+s28], $0xFA0, $0x38;
	[tilespmem:$0x18000] =	vst v63  }
0x3b: {  	_ =	swait.ge [sflag:s21], $0xFA0  }
0x3c: {  	[sflag:s21] =	ssyncset.done $0x0  }
0x3d: {  	[sflag:s21] =	ssyncadd.s32 $0xFFFFF060  }
0x3e: {  	_ =	swait.ge [sflag:s21], $0xFA0  }
0x3f: {  	[sflag:s21] =	ssyncset.done $0x0  }
0x40: {  	[sflag:s21] =	ssyncadd.s32 $0xFFFFF060  }
0x41: {  	_ =	swait.ge [sflag:s21], $0xFA0  }
0x42: {  	[sflag:s21] =	ssyncset.done $0x0  }
0x43: {  	[sflag:s21] =	ssyncadd.s32 $0xFFFFF060  }
0x44: {  	_ =	swait.ge [sflag:s21], $0xFA0  }
0x45: {  	[sflag:s21] =	ssyncset.done $0x0  }
0x46: {  	s28 =	simm.s32 $0x0;
	s26 =	simm.s32 $0x40;
	[sflag:s21] =	ssyncadd.s32 $0xFFFFF060  }
.LBB2_4:
0x47: {  	p2 =	sne.s32 s26, $0x3E40;
	v1 =	vld [tilespmem:s28+$0x3000];
	_ =	sdelay $0x4  }
0x48: {  	v1 =	vsub.f32 $0.0e+00, v1;
	_ =	sdelay $0x1  }
0x49: {  	v1 =	vmul.f32 $1.442695020e+00, v1;
	_ =	sdelay $0x1  }
0x4a: {  	(erf) = vpow2.f32 v1;
	_ =	sdelay $0x5  }
0x4b: {  	v1 =	vld [tilespmem:s28+$0x2000];
	_ =	sdelay $0x2  }
0x4c: {  	v2 =	vpop (erf)  }
0x4d: {  	v2 =	vadd.f32 $1.000000000e+00, v2  }
0x4e: {  	v3 =	vmax.f32 v1, $1.000000010e-01  }
0x4f: {  	v4 =	vmul.f32 v2, v3;
	_ =	sdelay $0x1  }
0x50: {  	(erf) = vrcp.f32 v4;
	_ =	sdelay $0x6  }
0x51: {  	v4 =	vld [tilespmem:s28+$0x1000]  }
0x52: {  	v5 =	vld [tilespmem:s28+$0x0]  }
0x53: {  	v6 =	vpop (erf)  }
0x54: {  	v2 =	vmul.f32 v6, v2;
	_ =	sdelay $0x1  }
0x55: {  	v4 =	vmul.f32 v2, v4  }
0x56: {  	v2 =	vmul.f32 v2, v5  }
0x57: {  	v4 =	vadd.f32 $5.000000000e-01, v4  }
0x58: {  	v2 =	vadd.f32 $5.000000000e-01, v2  }
0x59: {  	v4 =	vmul.f32 $2.560000000e+02, v4  }
0x5a: {  	v2 =	vmul.f32 $2.560000000e+02, v2  }
0x5b: {  	v5 =	vtrunc.f32 v4  }
0x5c: {  	v7 =	vtrunc.f32 v2;
	v8 =	vcvt.f32.s32 v5;
	vm0 =	vlt.f32 v4, v5  }
0x5d: {  	v5 =	vcvt.f32.s32 v7;
	vm1 =	vlt.f32 v2, v7;
	v7 =	vsel vm0, $0xFFFFFFFF, v0  }
0x5e: {  	v9 =	vsel vm1, $0xFFFFFFFF, v0;
	v7 =	vadd.s32 v8, v7  }
0x5f: {  	v5 =	vadd.s32 v5, v9;
	vm0 =	vgt.s32 v7, $0x0  }
0x60: {  	vm1 =	vgt.f32 v1, $1.000000010e-01;
	vm2 =	vgt.s32 v5, $0x0;
	v1 =	vnsel vm0, $0x0, v7  }
0x61: {  	v6 =	vmul.f32 v6, v3;
	v5 =	vnsel vm2, $0x0, v5;
	v1 =	vmin.u32 v1, $0xFF  }
0x62: {  	vm0 =	vge.f32 v2, $0.0e+00;
	v5 =	vmin.u32 v5, $0xFF;
	v1 =	vshll.u32 v1, $0x8  }
0x63: {  	vm0 =	vmand vm1, vm0;
	vm1 =	vlt.f32 v2, $2.560000000e+02;
	v1 =	vor.u32 v5, v1  }
.Ltmp5:
0x64: {  	v2 =	vmul.f32 v6, v3;
	vm0 =	vmand vm1, vm0;
	vm1 =	vge.f32 v4, $0.0e+00;
	(pc) =	sbr.rel @p2 .LBB2_4-.Ltmp5, $4  }
0x65: {  	vm0 =	vmand vm1, vm0;
	vm1 =	vlt.f32 v4, $2.560000000e+02  }
0x66: {  	v2 =	vpsel p0, v2, v6;
	vm0 =	vmand vm1, vm0  }
0x67: {  	v2 =	vnsel vm0, $0x0, v2  }
0x68: {  	s28 =	sshra.s32 s26, $0x2;
	s26 =	sadd.s32 $0x40, s26;
	[tilespmem:v1+s16+$0x0] =	vst.idx.add.f32.msk $0xffff, v2  }
0x69: {  	v1 =	vld [tilespmem:s28+$0x3000];
	_ =	sdelay $0x4  }
0x6a: {  	v1 =	vsub.f32 $0.0e+00, v1;
	_ =	sdelay $0x1  }
0x6b: {  	v1 =	vmul.f32 $1.442695020e+00, v1;
	_ =	sdelay $0x1  }
0x6c: {  	(erf) = vpow2.f32 v1;
	_ =	sdelay $0x5  }
0x6d: {  	v1 =	vld [tilespmem:s28+$0x2000];
	_ =	sdelay $0x2  }
0x6e: {  	v2 =	vpop (erf)  }
0x6f: {  	v2 =	vadd.f32 $1.000000000e+00, v2  }
0x70: {  	v3 =	vmax.f32 v1, $1.000000010e-01  }
0x71: {  	v4 =	vmul.f32 v2, v3;
	_ =	sdelay $0x1  }
0x72: {  	(erf) = vrcp.f32 v4;
	_ =	sdelay $0x6  }
0x73: {  	v60 =	vld [tilespmem:s28+$0x1000]  }
0x74: {  	v5 =	vld [tilespmem:s28+$0x0]  }
0x75: {  	v6 =	vpop (erf)  }
0x76: {  	v2 =	vmul.f32 v6, v2;
	_ =	sdelay $0x1  }
0x77: {  	v4 =	vmul.f32 v2, v60  }
0x78: {  	v2 =	vmul.f32 v2, v5  }
0x79: {  	v4 =	vadd.f32 $5.000000000e-01, v4  }
0x7a: {  	v2 =	vadd.f32 $5.000000000e-01, v2  }
0x7b: {  	v4 =	vmul.f32 $2.560000000e+02, v4  }
0x7c: {  	v2 =	vmul.f32 $2.560000000e+02, v2  }
0x7d: {  	v61 =	vtrunc.f32 v4  }
0x7e: {  	v7 =	vtrunc.f32 v2;
	v8 =	vcvt.f32.s32 v61;
	vm0 =	vlt.f32 v4, v61  }
0x7f: {  	v62 =	vcvt.f32.s32 v7;
	vm1 =	vlt.f32 v2, v7;
	v63 =	vsel vm0, $0xFFFFFFFF, v0  }
0x80: {  	v9 =	vsel vm1, $0xFFFFFFFF, v0;
	v7 =	vadd.s32 v8, v63  }
0x81: {  	v5 =	vadd.s32 v62, v9;
	vm10 =	vgt.s32 v7, $0x0  }
0x82: {  	vm11 =	vgt.f32 v1, $1.000000010e-01;
	vm2 =	vgt.s32 v5, $0x0;
	v1 =	vnsel vm10, $0x0, v7  }
0x83: {  	v6 =	vmul.f32 v6, v3;
	v5 =	vnsel vm2, $0x0, v5;
	v1 =	vmin.u32 v1, $0xFF  }
0x84: {  	vm12 =	vge.f32 v2, $0.0e+00;
	v5 =	vmin.u32 v5, $0xFF;
	v1 =	vshll.u32 v1, $0x8  }
0x85: {  	vm13 =	vlt.f32 v2, $2.560000000e+02;
	vm0 =	vmand vm11, vm12;
	v1 =	vor.u32 v5, v1  }
0x86: {  	vm14 =	vge.f32 v4, $0.0e+00;
	v2 =	vmul.f32 v6, v3;
	vm0 =	vmand vm13, vm0  }
0x87: {  	vm15 =	vlt.f32 v4, $2.560000000e+02;
	vm0 =	vmand vm14, vm0  }
0x88: {  	v2 =	vpsel p0, v2, v6;
	vm0 =	vmand vm15, vm0  }
0x89: {  	v2 =	vnsel vm0, $0x0, v2  }
0x8a: {  	[tilespmem:v1+s16+$0x0] =	vst.idx.add.f32.msk $0xffff, v2  }
.LBB2_6:
0x8b: {  	s25 =	sadd.s32 $0x2, s25  }
0x8c: {  	p2 =	sge.u32 s25, s9  }
0x8d: {  	s25 =	smul.u32 @!p2 $0xFA0, s25;
	_ =	sdelay $0x1  }
0x8e: {  	s25 =	sadd.s32 @!p2 s8, s25  }
0x8f: {  	s25 =	sshrl.u32 @!p2 s25, $0x3  }
0x90: {  	s28 =	simm.s32 @!p2 $0x0;
	s26 =	sadd.s32 @!p2 s0, s25  }
0x91: {  	[tilespmem:s28], [sflag:$0x1] =	stream.linear.gather @!p2 [hbm4b:s26+s28], $0xFA0, $0x38;
	[tilespmem:$0x18000] =	vst v63  }
0x92: {  	s29 =	simm.s32 @!p2 $0x1000;
	s26 =	sadd.s32 @!p2 s2, s25  }
0x93: {  	[tilespmem:s29], [sflag:$0x1] =	stream.linear.gather @!p2 [hbm4b:s26+s28], $0xFA0, $0x38;
	[tilespmem:$0x18000] =	vst v63  }
.Ltmp6:
0x94: {  	_ = 	snop;
	(pc) =	sbr.rel @p1 .LBB2_10-.Ltmp6, $4  }
0x95: {  	s26 =	sadd.s32 @!p2 s3, s25;
	s29 =	simm.s32 @!p2 $0x2000  }
0x96: {  	[tilespmem:s29], [sflag:$0x1] =	stream.linear.gather @!p2 [hbm4b:s26+s28], $0xFA0, $0x38;
	[tilespmem:$0x18000] =	vst v63  }
0x97: {  	s25 =	sadd.s32 @!p2 s4, s25;
	s26 =	simm.s32 @!p2 $0x3000  }
0x98: {  	[tilespmem:s26], [sflag:$0x1] =	stream.linear.gather @!p2 [hbm4b:s25+s28], $0xFA0, $0x38;
	[tilespmem:$0x18000] =	vst v63  }
0x99: {  	_ =	swait.ge [sflag:s22], $0xFA0  }
0x9a: {  	[sflag:s22] =	ssyncset.done $0x0  }
0x9b: {  	[sflag:s22] =	ssyncadd.s32 $0xFFFFF060  }
0x9c: {  	_ =	swait.ge [sflag:s22], $0xFA0  }
0x9d: {  	[sflag:s22] =	ssyncset.done $0x0  }
0x9e: {  	[sflag:s22] =	ssyncadd.s32 $0xFFFFF060  }
0x9f: {  	_ =	swait.ge [sflag:s22], $0xFA0  }
0xa0: {  	[sflag:s22] =	ssyncset.done $0x0  }
0xa1: {  	[sflag:s22] =	ssyncadd.s32 $0xFFFFF060  }
0xa2: {  	_ =	swait.ge [sflag:s22], $0xFA0  }
0xa3: {  	[sflag:s22] =	ssyncset.done $0x0  }
0xa4: {  	s26 =	simm.s32 $0x0;
	s25 =	simm.s32 $0x40;
	[sflag:s22] =	ssyncadd.s32 $0xFFFFF060  }
.LBB2_8:
0xa5: {  	p1 =	sne.s32 s25, $0x3E40;
	v1 =	vld [tilespmem:s26+$0x7000];
	_ =	sdelay $0x4  }
0xa6: {  	v1 =	vsub.f32 $0.0e+00, v1;
	_ =	sdelay $0x1  }
0xa7: {  	v1 =	vmul.f32 $1.442695020e+00, v1;
	_ =	sdelay $0x1  }
0xa8: {  	(erf) = vpow2.f32 v1;
	_ =	sdelay $0x5  }
0xa9: {  	v1 =	vld [tilespmem:s26+$0x6000];
	_ =	sdelay $0x2  }
0xaa: {  	v2 =	vpop (erf)  }
0xab: {  	v2 =	vadd.f32 $1.000000000e+00, v2  }
0xac: {  	v3 =	vmax.f32 v1, $1.000000010e-01  }
0xad: {  	v4 =	vmul.f32 v2, v3;
	_ =	sdelay $0x1  }
0xae: {  	(erf) = vrcp.f32 v4;
	_ =	sdelay $0x6  }
0xaf: {  	v4 =	vld [tilespmem:s26+$0x5000]  }
0xb0: {  	v5 =	vld [tilespmem:s26+$0x4000]  }
0xb1: {  	v6 =	vpop (erf)  }
0xb2: {  	v2 =	vmul.f32 v6, v2;
	_ =	sdelay $0x1  }
0xb3: {  	v4 =	vmul.f32 v2, v4  }
0xb4: {  	v2 =	vmul.f32 v2, v5  }
0xb5: {  	v4 =	vadd.f32 $5.000000000e-01, v4  }
0xb6: {  	v2 =	vadd.f32 $5.000000000e-01, v2  }
0xb7: {  	v4 =	vmul.f32 $2.560000000e+02, v4  }
0xb8: {  	v2 =	vmul.f32 $2.560000000e+02, v2  }
0xb9: {  	v5 =	vtrunc.f32 v4  }
0xba: {  	v7 =	vtrunc.f32 v2;
	v8 =	vcvt.f32.s32 v5;
	vm0 =	vlt.f32 v4, v5  }
0xbb: {  	v5 =	vcvt.f32.s32 v7;
	vm1 =	vlt.f32 v2, v7;
	v7 =	vsel vm0, $0xFFFFFFFF, v0  }
0xbc: {  	v9 =	vsel vm1, $0xFFFFFFFF, v0;
	v7 =	vadd.s32 v8, v7  }
0xbd: {  	v5 =	vadd.s32 v5, v9;
	vm0 =	vgt.s32 v7, $0x0  }
0xbe: {  	vm1 =	vgt.f32 v1, $1.000000010e-01;
	vm2 =	vgt.s32 v5, $0x0;
	v1 =	vnsel vm0, $0x0, v7  }
0xbf: {  	v6 =	vmul.f32 v6, v3;
	v5 =	vnsel vm2, $0x0, v5;
	v1 =	vmin.u32 v1, $0xFF  }
0xc0: {  	vm0 =	vge.f32 v2, $0.0e+00;
	v5 =	vmin.u32 v5, $0xFF;
	v1 =	vshll.u32 v1, $0x8  }
0xc1: {  	vm0 =	vmand vm1, vm0;
	vm1 =	vlt.f32 v2, $2.560000000e+02;
	v1 =	vor.u32 v5, v1  }
.Ltmp7:
0xc2: {  	v2 =	vmul.f32 v6, v3;
	vm0 =	vmand vm1, vm0;
	vm1 =	vge.f32 v4, $0.0e+00;
	(pc) =	sbr.rel @p1 .LBB2_8-.Ltmp7, $4  }
0xc3: {  	vm0 =	vmand vm1, vm0;
	vm1 =	vlt.f32 v4, $2.560000000e+02  }
0xc4: {  	v2 =	vpsel p0, v2, v6;
	vm0 =	vmand vm1, vm0  }
0xc5: {  	v2 =	vnsel vm0, $0x0, v2  }
0xc6: {  	s26 =	sshra.s32 s25, $0x2;
	s25 =	sadd.s32 $0x40, s25;
	[tilespmem:v1+s16+$0x0] =	vst.idx.add.f32.msk $0xffff, v2  }
0xc7: {  	v1 =	vld [tilespmem:s26+$0x7000];
	_ =	sdelay $0x4  }
0xc8: {  	v1 =	vsub.f32 $0.0e+00, v1;
	_ =	sdelay $0x1  }
0xc9: {  	v1 =	vmul.f32 $1.442695020e+00, v1;
	_ =	sdelay $0x1  }
0xca: {  	(erf) = vpow2.f32 v1;
	_ =	sdelay $0x5  }
0xcb: {  	v1 =	vld [tilespmem:s26+$0x6000];
	_ =	sdelay $0x2  }
0xcc: {  	v2 =	vpop (erf)  }
0xcd: {  	v2 =	vadd.f32 $1.000000000e+00, v2  }
0xce: {  	v3 =	vmax.f32 v1, $1.000000010e-01  }
0xcf: {  	v4 =	vmul.f32 v2, v3;
	_ =	sdelay $0x1  }
0xd0: {  	(erf) = vrcp.f32 v4;
	_ =	sdelay $0x6  }
0xd1: {  	v60 =	vld [tilespmem:s26+$0x5000]  }
0xd2: {  	v5 =	vld [tilespmem:s26+$0x4000]  }
0xd3: {  	v6 =	vpop (erf)  }
0xd4: {  	v2 =	vmul.f32 v6, v2;
	_ =	sdelay $0x1  }
0xd5: {  	v4 =	vmul.f32 v2, v60  }
0xd6: {  	v2 =	vmul.f32 v2, v5  }
0xd7: {  	v4 =	vadd.f32 $5.000000000e-01, v4  }
0xd8: {  	v2 =	vadd.f32 $5.000000000e-01, v2  }
0xd9: {  	v4 =	vmul.f32 $2.560000000e+02, v4  }
0xda: {  	v2 =	vmul.f32 $2.560000000e+02, v2  }
0xdb: {  	v61 =	vtrunc.f32 v4  }
0xdc: {  	v7 =	vtrunc.f32 v2;
	v8 =	vcvt.f32.s32 v61;
	vm0 =	vlt.f32 v4, v61  }
0xdd: {  	v62 =	vcvt.f32.s32 v7;
	vm1 =	vlt.f32 v2, v7;
	v63 =	vsel vm0, $0xFFFFFFFF, v0  }
0xde: {  	v9 =	vsel vm1, $0xFFFFFFFF, v0;
	v7 =	vadd.s32 v8, v63  }
0xdf: {  	v5 =	vadd.s32 v62, v9;
	vm10 =	vgt.s32 v7, $0x0  }
0xe0: {  	vm11 =	vgt.f32 v1, $1.000000010e-01;
	vm2 =	vgt.s32 v5, $0x0;
	v1 =	vnsel vm10, $0x0, v7  }
0xe1: {  	v6 =	vmul.f32 v6, v3;
	v5 =	vnsel vm2, $0x0, v5;
	v1 =	vmin.u32 v1, $0xFF  }
0xe2: {  	vm12 =	vge.f32 v2, $0.0e+00;
	v5 =	vmin.u32 v5, $0xFF;
	v1 =	vshll.u32 v1, $0x8  }
0xe3: {  	vm13 =	vlt.f32 v2, $2.560000000e+02;
	vm0 =	vmand vm11, vm12;
	v1 =	vor.u32 v5, v1  }
.Ltmp8:
0xe4: {  	vm14 =	vge.f32 v4, $0.0e+00;
	v2 =	vmul.f32 v6, v3;
	vm0 =	vmand vm13, vm0;
	(pc) =	sbr.rel .LBB2_10-.Ltmp8, $4  }
0xe5: {  	vm15 =	vlt.f32 v4, $2.560000000e+02;
	vm0 =	vmand vm14, vm0  }
0xe6: {  	v2 =	vpsel p0, v2, v6;
	vm0 =	vmand vm15, vm0  }
0xe7: {  	v2 =	vnsel vm0, $0x0, v2  }
0xe8: {  	[tilespmem:v1+s16+$0x0] =	vst.idx.add.f32.msk $0xffff, v2  }
.LBB2_12:
0xe9: {  	_ =	sfence.sel $0x180000  }
0xea: {  	[bflag:$0x0] =	sbarrier.arrive $0xFFFF  }
0xeb: {  	p0 =	sne.s32 s1, $0x0;
	_ =	strace $0x90000047  }
0xec: {  	s0 =	sadd.s32 @!p0 $0x100000, s5;
	[bflag:$0x2] =	sbarrier.arrive $0xFFFF  }
0xed: {  	[sflag:s0] =	ssyncadd.tile.s32 @!p0 $0x1;
	_ =	shalt  }
.Lfunc_end2:
_tile_overlayer_lowered:
.L_overlay_start_2:
0xee: {  	(tag) =	ssettag $0x2  }
0xef: {  	s0 =	rddreg [dreg:$0x0];
	s2 =	stileid.u32  }
0xf0: {  	s1 =	rddreg [dreg:$0x1];
	p0 =	sne.s32 s2, $0x0  }
0xf1: {  	s3 =	rddreg [dreg:$0x2];
	[bflag:$0x3] =	sbarrier.arrive $0xFFFF;
	s2 =	simm.s32 @!p0 $0x1C03  }
0xf2: {  	[timem:s3], [sflag:s2] =	dma.local @!p0 [hbm:s0], s1  }
0xf3: {  	s0 =	simm.s32 @!p0 $0x3  }
0xf4: {  	_ =	swait.ge @!p0 [sflag:s0], s1  }
0xf5: {  	s1 =	ssub.s32 @!p0 $0x0, s1;
	[sflag:s0] =	ssyncset.done @!p0 $0x0  }
0xf6: {  	[sflag:s0] =	ssyncadd.s32 @!p0 s1  }
0xf7: {  	[bflag:$0x3] =	sbarrier.arrive $0xFFFF  }
0xf8: {  	_ =	shalt  }

</sc_bundles>
